<compile_context>
chip_gen: v7x
topology: tpu7x:2x2x1
jax: 0.10.2.dev20260603
libtpu: 0.0.44.dev20260713+nightly
codegen_flags: <defaults>
</compile_context>

<pallas_src>
import functools

import jax
import jax.numpy as jnp
from jax import lax
from jax.experimental import pallas as pl
from jax.experimental.pallas import tpu as pltpu
from jax.experimental.pallas import tpu_sc as plsc

NC = 2
NS = 16
NW = NC * NS

D = 64
UNIT = 128
NBUF = 8
STAGGER = 4


def _make_gather(B):
    assert B % (UNIT * NW) == 0
    units_per_w = B // (UNIT * NW)
    assert units_per_w % NBUF == 0 and units_per_w > 2 * NBUF
    rots = units_per_w // NBUF

    mesh = plsc.VectorSubcoreMesh(core_axis_name="c", subcore_axis_name="s")

    @functools.partial(
        pl.kernel,
        out_type=jax.ShapeDtypeStruct((B, D), jnp.float32),
        mesh=mesh,
        scratch_types=[
            pltpu.VMEM((units_per_w, UNIT), jnp.int32),
            pltpu.VMEM((NBUF, UNIT, D), jnp.float32),
            pltpu.SemaphoreType.DMA((NBUF,)),
            pltpu.SemaphoreType.DMA((NBUF,)),
        ],
        compiler_params=pltpu.CompilerParams(use_tc_tiling_on_sc=False),
    )
    def gather_kernel(table_hbm, idx_hbm, out_hbm, idx_v, rows_v, gsem, ssem):
        wid = lax.axis_index("s") * NC + lax.axis_index("c")
        base_unit = wid * units_per_w

        pltpu.sync_copy(idx_hbm.at[pl.ds(base_unit, units_per_w)], idx_v)

        def fire_gather(u, slot):
            pltpu.async_copy(
                table_hbm.at[idx_v.at[u]], rows_v.at[slot], gsem.at[slot])

        def wait_gather(u, slot):
            pltpu.make_async_copy(
                table_hbm.at[idx_v.at[u]], rows_v.at[slot],
                gsem.at[slot]).wait()

        def out_slice(u):
            return out_hbm.at[pl.ds((base_unit + u) * UNIT, UNIT)]

        def fire_store(u, slot):
            pltpu.async_copy(rows_v.at[slot], out_slice(u), ssem.at[slot])

        def wait_store(u, slot):
            pltpu.make_async_copy(
                rows_v.at[slot], out_slice(u), ssem.at[slot]).wait()

        for b in range(NBUF):
            fire_gather(b, b)
            if b >= STAGGER:
                v = b - STAGGER
                wait_gather(v, v)
                fire_store(v, v)

        def body(r, carry):
            for b in range(NBUF):
                u = r * NBUF + b
                wait_store(u - NBUF, b)
                fire_gather(u, b)
                v = u - STAGGER
                vslot = (b - STAGGER) % NBUF
                wait_gather(v, vslot)
                fire_store(v, vslot)
            return carry

        lax.fori_loop(1, rots, body, 0)

        last = units_per_w - NBUF
        for b in range(NBUF - STAGGER, NBUF):
            v = last + b
            wait_gather(v, b)
            fire_store(v, b)
        for b in range(NBUF):
            wait_store(last + b, b)

    return gather_kernel


def kernel(inputs, embeddings):
    batch, seq = inputs.shape
    B = batch * seq
    idx2d = inputs.reshape(B // UNIT, UNIT).astype(jnp.int32)
    out = _make_gather(B)(embeddings, idx2d)
    return out.reshape(batch, seq, D)

# --- scband reference (transcript-rebuilt; emitter-appended) ---
"""Pipeline reference for scband-on-device-embedding-70239895158993 (READ-ONLY COPY).

The authoritative reference and input builder live on the scoring server;
editing this copy changes nothing except your own understanding.
"""

import jax, jax.numpy as jnp
import numpy as np

VOCAB_SIZE = 1000000
EMBED_WIDTH = 64

def setup_inputs(seed: int = 0) -> dict:
    key = jax.random.key(seed)
    k_idx, k_emb = jax.random.split(key)
    inputs = jax.random.randint(k_idx, (4096, 200), 0, VOCAB_SIZE, dtype=jnp.int64 if jax.config.read('jax_enable_x64') else jnp.int32)
    # glorot_uniform for [vocab, width]: limit = sqrt(6 / (fan_in + fan_out))
    limit = np.sqrt(6.0 / (VOCAB_SIZE + EMBED_WIDTH))
    embeddings = jax.random.uniform(k_emb, (VOCAB_SIZE, EMBED_WIDTH), minval=-limit, maxval=limit, dtype=jnp.float32)
    return {"inputs": inputs, "embeddings": embeddings}

def reference(inputs, embeddings):
    # OnDeviceEmbedding.call with use_one_hot=False
    input_shape = list(inputs.shape)  # rank-2 [batch, seq]
    out_shape = input_shape + [embeddings.shape[1]]
    flat_inputs = jnp.reshape(inputs, (-1,))
    emb = jnp.take(embeddings, flat_inputs, axis=0)
    return jnp.reshape(emb, out_shape)

if __name__ == "__main__":
    import jax
    _d = setup_inputs()
    print(jax.jit(kernel)(*tuple(_d.values())))

</pallas_src>

<mosaic_0001>
#map = affine_map<(d0, d1) -> (0, 0)>
module attributes {stable_mosaic.version = 14 : i64} {
  func.func @gather_kernel(%arg0: i32, %arg1: i32, %arg2: memref<1000000x64xf32, #tpu.memory_space<hbm>>, %arg3: memref<6400x128xi32, #tpu.memory_space<hbm>>, %arg4: memref<819200x64xf32, #tpu.memory_space<hbm>>, %arg5: memref<200x128xi32, #tpu.memory_space<vmem>>, %arg6: memref<8x128x64xf32, #tpu.memory_space<vmem>>, %arg7: memref<8x!tpu.dma_semaphore, #tpu.memory_space<semaphore_mem>>, %arg8: memref<8x!tpu.dma_semaphore, #tpu.memory_space<semaphore_mem>>) attributes {dimension_semantics = [#tpu.dimension_semantics<core_parallel>, #tpu.dimension_semantics<subcore_parallel>], iteration_bounds = array<i64: 2, 16>, scalar_prefetch = 0 : i64, scratch_operands = 4 : i64, tpu.core_type = #tpu.core_type<sc_vector_subcore>, window_params = [{transform_indices = #map}, {transform_indices = #map}, {transform_indices = #map}]} {
    %mul3A = arith.constant 2 : i32
    %mul3A_0 = arith.muli %arg1, %mul3A : i32
    %add3A = arith.addi %mul3A_0, %arg0 : i32
    %mul3A_1 = arith.constant 200 : i32
    %mul3A_2 = arith.muli %add3A, %mul3A_1 : i32
    "tpu.region"() ({
      %run_scoped3A = tpu.sem_alloc : memref<!tpu.dma_semaphore, #tpu.memory_space<semaphore_mem>>
      %dma_start3A_566 = arith.constant 0 : i32
      %dma_start3A_567 = tpu.memref_slice %arg3[%mul3A_2, %dma_start3A_566] : memref<6400x128xi32, #tpu.memory_space<hbm>> -> memref<200x128xi32, #tpu.memory_space<hbm>>
      %dma_start3A_568 = arith.constant 0 : i32
      %dma_start3A_569 = tpu.memref_slice %arg3[%mul3A_2, %dma_start3A_568] : memref<6400x128xi32, #tpu.memory_space<hbm>> -> memref<200x128xi32, #tpu.memory_space<hbm>>
      tpu.enqueue_dma source(%dma_start3A_569 : memref<200x128xi32, #tpu.memory_space<hbm>>) target(%arg5 : memref<200x128xi32, #tpu.memory_space<vmem>>) target_semaphore(%run_scoped3A : memref<!tpu.dma_semaphore, #tpu.memory_space<semaphore_mem>>)
      %dma_wait3A_570 = arith.constant 0 : i32
      %dma_wait3A_571 = tpu.memref_slice %arg3[%mul3A_2, %dma_wait3A_570] : memref<6400x128xi32, #tpu.memory_space<hbm>> -> memref<200x128xi32, #tpu.memory_space<hbm>>
      %dma_wait3A_572 = arith.constant 0 : i32
      %dma_wait3A_573 = tpu.memref_slice %arg3[%mul3A_2, %dma_wait3A_572] : memref<6400x128xi32, #tpu.memory_space<hbm>> -> memref<200x128xi32, #tpu.memory_space<hbm>>
      tpu.wait_dma2 semaphore(%run_scoped3A : memref<!tpu.dma_semaphore, #tpu.memory_space<semaphore_mem>>) src(%dma_wait3A_573 : memref<200x128xi32, #tpu.memory_space<hbm>>) dst(%arg5 : memref<200x128xi32, #tpu.memory_space<vmem>>)
      tpu.yield
    }) : () -> ()
    %dma_start3A = arith.constant 0 : i32
    %dma_start3A_3 = arith.constant 0 : i32
    %dma_start3A_4 = arith.constant 0 : i32
    %dma_start3A_5 = arith.constant 0 : i32
    %dma_start3A_6 = arith.constant 0 : i32
    %dma_start3A_7 = tpu.memref_slice %arg6[%dma_start3A_3, %dma_start3A_5, %dma_start3A_6] : memref<8x128x64xf32, #tpu.memory_space<vmem>> -> memref<1x128x64xf32, #tpu.memory_space<vmem>>
    %dma_start3A_8 = tpu.memref_squeeze %dma_start3A_7 : memref<1x128x64xf32, #tpu.memory_space<vmem>> -> memref<128x64xf32, #tpu.memory_space<vmem>>
    %dma_start3A_9 = arith.constant 0 : i32
    %dma_start3A_10 = tpu.memref_slice %arg5[%dma_start3A, %dma_start3A_9] : memref<200x128xi32, #tpu.memory_space<vmem>> -> memref<1x128xi32, #tpu.memory_space<vmem>>
    %dma_start3A_11 = tpu.memref_squeeze %dma_start3A_10 : memref<1x128xi32, #tpu.memory_space<vmem>> -> memref<128xi32, #tpu.memory_space<vmem>>
    %dma_start3A_12 = arith.constant 0 : i32
    %dma_start3A_13 = arith.constant 0 : i32
    %dma_start3A_14 = tpu.memref_slice %arg2[%dma_start3A_12, %dma_start3A_13] : memref<1000000x64xf32, #tpu.memory_space<hbm>> -> memref<1000000x64xf32, #tpu.memory_space<hbm>>
    %dma_start3A_15 = tpu.memref_slice %arg7[%dma_start3A_4] : memref<8x!tpu.dma_semaphore, #tpu.memory_space<semaphore_mem>> -> memref<1x!tpu.dma_semaphore, #tpu.memory_space<semaphore_mem>>
    %dma_start3A_16 = tpu.memref_squeeze %dma_start3A_15 : memref<1x!tpu.dma_semaphore, #tpu.memory_space<semaphore_mem>> -> memref<!tpu.dma_semaphore, #tpu.memory_space<semaphore_mem>>
    tpu.enqueue_indirect_dma source(%dma_start3A_14 : memref<1000000x64xf32, #tpu.memory_space<hbm>>) target(%dma_start3A_8 : memref<128x64xf32, #tpu.memory_space<vmem>>) offsets(%dma_start3A_11 : memref<128xi32, #tpu.memory_space<vmem>>) semaphore(%dma_start3A_16 : memref<!tpu.dma_semaphore, #tpu.memory_space<semaphore_mem>>)
    %dma_start3A_17 = arith.constant 1 : i32
    %dma_start3A_18 = arith.constant 1 : i32
    %dma_start3A_19 = arith.constant 1 : i32
    %dma_start3A_20 = arith.constant 0 : i32
    %dma_start3A_21 = arith.constant 0 : i32
    %dma_start3A_22 = tpu.memref_slice %arg6[%dma_start3A_18, %dma_start3A_20, %dma_start3A_21] : memref<8x128x64xf32, #tpu.memory_space<vmem>> -> memref<1x128x64xf32, #tpu.memory_space<vmem>>
    %dma_start3A_23 = tpu.memref_squeeze %dma_start3A_22 : memref<1x128x64xf32, #tpu.memory_space<vmem>> -> memref<128x64xf32, #tpu.memory_space<vmem>>
    %dma_start3A_24 = arith.constant 0 : i32
    %dma_start3A_25 = tpu.memref_slice %arg5[%dma_start3A_17, %dma_start3A_24] : memref<200x128xi32, #tpu.memory_space<vmem>> -> memref<1x128xi32, #tpu.memory_space<vmem>>
    %dma_start3A_26 = tpu.memref_squeeze %dma_start3A_25 : memref<1x128xi32, #tpu.memory_space<vmem>> -> memref<128xi32, #tpu.memory_space<vmem>>
    %dma_start3A_27 = arith.constant 0 : i32
    %dma_start3A_28 = arith.constant 0 : i32
    %dma_start3A_29 = tpu.memref_slice %arg2[%dma_start3A_27, %dma_start3A_28] : memref<1000000x64xf32, #tpu.memory_space<hbm>> -> memref<1000000x64xf32, #tpu.memory_space<hbm>>
    %dma_start3A_30 = tpu.memref_slice %arg7[%dma_start3A_19] : memref<8x!tpu.dma_semaphore, #tpu.memory_space<semaphore_mem>> -> memref<1x!tpu.dma_semaphore, #tpu.memory_space<semaphore_mem>>
    %dma_start3A_31 = tpu.memref_squeeze %dma_start3A_30 : memref<1x!tpu.dma_semaphore, #tpu.memory_space<semaphore_mem>> -> memref<!tpu.dma_semaphore, #tpu.memory_space<semaphore_mem>>
    tpu.enqueue_indirect_dma source(%dma_start3A_29 : memref<1000000x64xf32, #tpu.memory_space<hbm>>) target(%dma_start3A_23 : memref<128x64xf32, #tpu.memory_space<vmem>>) offsets(%dma_start3A_26 : memref<128xi32, #tpu.memory_space<vmem>>) semaphore(%dma_start3A_31 : memref<!tpu.dma_semaphore, #tpu.memory_space<semaphore_mem>>)
    %dma_start3A_32 = arith.constant 2 : i32
    %dma_start3A_33 = arith.constant 2 : i32
    %dma_start3A_34 = arith.constant 2 : i32
    %dma_start3A_35 = arith.constant 0 : i32
    %dma_start3A_36 = arith.constant 0 : i32
    %dma_start3A_37 = tpu.memref_slice %arg6[%dma_start3A_33, %dma_start3A_35, %dma_start3A_36] : memref<8x128x64xf32, #tpu.memory_space<vmem>> -> memref<1x128x64xf32, #tpu.memory_space<vmem>>
    %dma_start3A_38 = tpu.memref_squeeze %dma_start3A_37 : memref<1x128x64xf32, #tpu.memory_space<vmem>> -> memref<128x64xf32, #tpu.memory_space<vmem>>
    %dma_start3A_39 = arith.constant 0 : i32
    %dma_start3A_40 = tpu.memref_slice %arg5[%dma_start3A_32, %dma_start3A_39] : memref<200x128xi32, #tpu.memory_space<vmem>> -> memref<1x128xi32, #tpu.memory_space<vmem>>
    %dma_start3A_41 = tpu.memref_squeeze %dma_start3A_40 : memref<1x128xi32, #tpu.memory_space<vmem>> -> memref<128xi32, #tpu.memory_space<vmem>>
    %dma_start3A_42 = arith.constant 0 : i32
    %dma_start3A_43 = arith.constant 0 : i32
    %dma_start3A_44 = tpu.memref_slice %arg2[%dma_start3A_42, %dma_start3A_43] : memref<1000000x64xf32, #tpu.memory_space<hbm>> -> memref<1000000x64xf32, #tpu.memory_space<hbm>>
    %dma_start3A_45 = tpu.memref_slice %arg7[%dma_start3A_34] : memref<8x!tpu.dma_semaphore, #tpu.memory_space<semaphore_mem>> -> memref<1x!tpu.dma_semaphore, #tpu.memory_space<semaphore_mem>>
    %dma_start3A_46 = tpu.memref_squeeze %dma_start3A_45 : memref<1x!tpu.dma_semaphore, #tpu.memory_space<semaphore_mem>> -> memref<!tpu.dma_semaphore, #tpu.memory_space<semaphore_mem>>
    tpu.enqueue_indirect_dma source(%dma_start3A_44 : memref<1000000x64xf32, #tpu.memory_space<hbm>>) target(%dma_start3A_38 : memref<128x64xf32, #tpu.memory_space<vmem>>) offsets(%dma_start3A_41 : memref<128xi32, #tpu.memory_space<vmem>>) semaphore(%dma_start3A_46 : memref<!tpu.dma_semaphore, #tpu.memory_space<semaphore_mem>>)
    %dma_start3A_47 = arith.constant 3 : i32
    %dma_start3A_48 = arith.constant 3 : i32
    %dma_start3A_49 = arith.constant 3 : i32
    %dma_start3A_50 = arith.constant 0 : i32
    %dma_start3A_51 = arith.constant 0 : i32
    %dma_start3A_52 = tpu.memref_slice %arg6[%dma_start3A_48, %dma_start3A_50, %dma_start3A_51] : memref<8x128x64xf32, #tpu.memory_space<vmem>> -> memref<1x128x64xf32, #tpu.memory_space<vmem>>
    %dma_start3A_53 = tpu.memref_squeeze %dma_start3A_52 : memref<1x128x64xf32, #tpu.memory_space<vmem>> -> memref<128x64xf32, #tpu.memory_space<vmem>>
    %dma_start3A_54 = arith.constant 0 : i32
    %dma_start3A_55 = tpu.memref_slice %arg5[%dma_start3A_47, %dma_start3A_54] : memref<200x128xi32, #tpu.memory_space<vmem>> -> memref<1x128xi32, #tpu.memory_space<vmem>>
    %dma_start3A_56 = tpu.memref_squeeze %dma_start3A_55 : memref<1x128xi32, #tpu.memory_space<vmem>> -> memref<128xi32, #tpu.memory_space<vmem>>
    %dma_start3A_57 = arith.constant 0 : i32
    %dma_start3A_58 = arith.constant 0 : i32
    %dma_start3A_59 = tpu.memref_slice %arg2[%dma_start3A_57, %dma_start3A_58] : memref<1000000x64xf32, #tpu.memory_space<hbm>> -> memref<1000000x64xf32, #tpu.memory_space<hbm>>
    %dma_start3A_60 = tpu.memref_slice %arg7[%dma_start3A_49] : memref<8x!tpu.dma_semaphore, #tpu.memory_space<semaphore_mem>> -> memref<1x!tpu.dma_semaphore, #tpu.memory_space<semaphore_mem>>
    %dma_start3A_61 = tpu.memref_squeeze %dma_start3A_60 : memref<1x!tpu.dma_semaphore, #tpu.memory_space<semaphore_mem>> -> memref<!tpu.dma_semaphore, #tpu.memory_space<semaphore_mem>>
    tpu.enqueue_indirect_dma source(%dma_start3A_59 : memref<1000000x64xf32, #tpu.memory_space<hbm>>) target(%dma_start3A_53 : memref<128x64xf32, #tpu.memory_space<vmem>>) offsets(%dma_start3A_56 : memref<128xi32, #tpu.memory_space<vmem>>) semaphore(%dma_start3A_61 : memref<!tpu.dma_semaphore, #tpu.memory_space<semaphore_mem>>)
    %dma_start3A_62 = arith.constant 4 : i32
    %dma_start3A_63 = arith.constant 4 : i32
    %dma_start3A_64 = arith.constant 4 : i32
    %dma_start3A_65 = arith.constant 0 : i32
    %dma_start3A_66 = arith.constant 0 : i32
    %dma_start3A_67 = tpu.memref_slice %arg6[%dma_start3A_63, %dma_start3A_65, %dma_start3A_66] : memref<8x128x64xf32, #tpu.memory_space<vmem>> -> memref<1x128x64xf32, #tpu.memory_space<vmem>>
    %dma_start3A_68 = tpu.memref_squeeze %dma_start3A_67 : memref<1x128x64xf32, #tpu.memory_space<vmem>> -> memref<128x64xf32, #tpu.memory_space<vmem>>
    %dma_start3A_69 = arith.constant 0 : i32
    %dma_start3A_70 = tpu.memref_slice %arg5[%dma_start3A_62, %dma_start3A_69] : memref<200x128xi32, #tpu.memory_space<vmem>> -> memref<1x128xi32, #tpu.memory_space<vmem>>
    %dma_start3A_71 = tpu.memref_squeeze %dma_start3A_70 : memref<1x128xi32, #tpu.memory_space<vmem>> -> memref<128xi32, #tpu.memory_space<vmem>>
    %dma_start3A_72 = arith.constant 0 : i32
    %dma_start3A_73 = arith.constant 0 : i32
    %dma_start3A_74 = tpu.memref_slice %arg2[%dma_start3A_72, %dma_start3A_73] : memref<1000000x64xf32, #tpu.memory_space<hbm>> -> memref<1000000x64xf32, #tpu.memory_space<hbm>>
    %dma_start3A_75 = tpu.memref_slice %arg7[%dma_start3A_64] : memref<8x!tpu.dma_semaphore, #tpu.memory_space<semaphore_mem>> -> memref<1x!tpu.dma_semaphore, #tpu.memory_space<semaphore_mem>>
    %dma_start3A_76 = tpu.memref_squeeze %dma_start3A_75 : memref<1x!tpu.dma_semaphore, #tpu.memory_space<semaphore_mem>> -> memref<!tpu.dma_semaphore, #tpu.memory_space<semaphore_mem>>
    tpu.enqueue_indirect_dma source(%dma_start3A_74 : memref<1000000x64xf32, #tpu.memory_space<hbm>>) target(%dma_start3A_68 : memref<128x64xf32, #tpu.memory_space<vmem>>) offsets(%dma_start3A_71 : memref<128xi32, #tpu.memory_space<vmem>>) semaphore(%dma_start3A_76 : memref<!tpu.dma_semaphore, #tpu.memory_space<semaphore_mem>>)
    %dma_wait3A = arith.constant 0 : i32
    %dma_wait3A_77 = arith.constant 0 : i32
    %dma_wait3A_78 = arith.constant 0 : i32
    %dma_wait3A_79 = arith.constant 0 : i32
    %dma_wait3A_80 = arith.constant 0 : i32
    %dma_wait3A_81 = tpu.memref_slice %arg6[%dma_wait3A_77, %dma_wait3A_79, %dma_wait3A_80] : memref<8x128x64xf32, #tpu.memory_space<vmem>> -> memref<1x128x64xf32, #tpu.memory_space<vmem>>
    %dma_wait3A_82 = tpu.memref_squeeze %dma_wait3A_81 : memref<1x128x64xf32, #tpu.memory_space<vmem>> -> memref<128x64xf32, #tpu.memory_space<vmem>>
    %dma_wait3A_83 = arith.constant 0 : i32
    %dma_wait3A_84 = tpu.memref_slice %arg5[%dma_wait3A, %dma_wait3A_83] : memref<200x128xi32, #tpu.memory_space<vmem>> -> memref<1x128xi32, #tpu.memory_space<vmem>>
    %dma_wait3A_85 = tpu.memref_squeeze %dma_wait3A_84 : memref<1x128xi32, #tpu.memory_space<vmem>> -> memref<128xi32, #tpu.memory_space<vmem>>
    %dma_wait3A_86 = arith.constant 0 : i32
    %dma_wait3A_87 = arith.constant 0 : i32
    %dma_wait3A_88 = tpu.memref_slice %arg2[%dma_wait3A_86, %dma_wait3A_87] : memref<1000000x64xf32, #tpu.memory_space<hbm>> -> memref<1000000x64xf32, #tpu.memory_space<hbm>>
    %dma_wait3A_89 = tpu.memref_slice %arg7[%dma_wait3A_78] : memref<8x!tpu.dma_semaphore, #tpu.memory_space<semaphore_mem>> -> memref<1x!tpu.dma_semaphore, #tpu.memory_space<semaphore_mem>>
    %dma_wait3A_90 = tpu.memref_squeeze %dma_wait3A_89 : memref<1x!tpu.dma_semaphore, #tpu.memory_space<semaphore_mem>> -> memref<!tpu.dma_semaphore, #tpu.memory_space<semaphore_mem>>
    tpu.wait_indirect_dma semaphore(%dma_wait3A_90 : memref<!tpu.dma_semaphore, #tpu.memory_space<semaphore_mem>>) src(%dma_wait3A_88 : memref<1000000x64xf32, #tpu.memory_space<hbm>>) dst(%dma_wait3A_82 : memref<128x64xf32, #tpu.memory_space<vmem>>)
    %add3A_91 = arith.constant 0 : i32
    %add3A_92 = arith.addi %mul3A_2, %add3A_91 : i32
    %mul3A_93 = arith.constant 128 : i32
    %mul3A_94 = arith.muli %add3A_92, %mul3A_93 : i32
    %dma_start3A_95 = arith.constant 0 : i32
    %dma_start3A_96 = arith.constant 0 : i32
    %dma_start3A_97 = arith.constant 0 : i32
    %dma_start3A_98 = arith.constant 0 : i32
    %dma_start3A_99 = tpu.memref_slice %arg6[%dma_start3A_95, %dma_start3A_97, %dma_start3A_98] : memref<8x128x64xf32, #tpu.memory_space<vmem>> -> memref<1x128x64xf32, #tpu.memory_space<vmem>>
    %dma_start3A_100 = tpu.memref_squeeze %dma_start3A_99 : memref<1x128x64xf32, #tpu.memory_space<vmem>> -> memref<128x64xf32, #tpu.memory_space<vmem>>
    %dma_start3A_101 = arith.constant 0 : i32
    %dma_start3A_102 = tpu.memref_slice %arg4[%mul3A_94, %dma_start3A_101] : memref<819200x64xf32, #tpu.memory_space<hbm>> -> memref<128x64xf32, #tpu.memory_space<hbm>>
    %dma_start3A_103 = tpu.memref_slice %arg8[%dma_start3A_96] : memref<8x!tpu.dma_semaphore, #tpu.memory_space<semaphore_mem>> -> memref<1x!tpu.dma_semaphore, #tpu.memory_space<semaphore_mem>>
    %dma_start3A_104 = tpu.memref_squeeze %dma_start3A_103 : memref<1x!tpu.dma_semaphore, #tpu.memory_space<semaphore_mem>> -> memref<!tpu.dma_semaphore, #tpu.memory_space<semaphore_mem>>
    %dma_start3A_105 = arith.constant 0 : i32
    %dma_start3A_106 = tpu.memref_slice %arg4[%mul3A_94, %dma_start3A_105] : memref<819200x64xf32, #tpu.memory_space<hbm>> -> memref<128x64xf32, #tpu.memory_space<hbm>>
    %dma_start3A_107 = arith.constant 0 : i32
    %dma_start3A_108 = arith.constant 0 : i32
    %dma_start3A_109 = tpu.memref_slice %arg6[%dma_start3A_95, %dma_start3A_107, %dma_start3A_108] : memref<8x128x64xf32, #tpu.memory_space<vmem>> -> memref<1x128x64xf32, #tpu.memory_space<vmem>>
    %dma_start3A_110 = tpu.memref_squeeze %dma_start3A_109 : memref<1x128x64xf32, #tpu.memory_space<vmem>> -> memref<128x64xf32, #tpu.memory_space<vmem>>
    tpu.enqueue_dma source(%dma_start3A_110 : memref<128x64xf32, #tpu.memory_space<vmem>>) target(%dma_start3A_106 : memref<128x64xf32, #tpu.memory_space<hbm>>) target_semaphore(%dma_start3A_104 : memref<!tpu.dma_semaphore, #tpu.memory_space<semaphore_mem>>)
    %dma_start3A_111 = arith.constant 5 : i32
    %dma_start3A_112 = arith.constant 5 : i32
    %dma_start3A_113 = arith.constant 5 : i32
    %dma_start3A_114 = arith.constant 0 : i32
    %dma_start3A_115 = arith.constant 0 : i32
    %dma_start3A_116 = tpu.memref_slice %arg6[%dma_start3A_112, %dma_start3A_114, %dma_start3A_115] : memref<8x128x64xf32, #tpu.memory_space<vmem>> -> memref<1x128x64xf32, #tpu.memory_space<vmem>>
    %dma_start3A_117 = tpu.memref_squeeze %dma_start3A_116 : memref<1x128x64xf32, #tpu.memory_space<vmem>> -> memref<128x64xf32, #tpu.memory_space<vmem>>
    %dma_start3A_118 = arith.constant 0 : i32
    %dma_start3A_119 = tpu.memref_slice %arg5[%dma_start3A_111, %dma_start3A_118] : memref<200x128xi32, #tpu.memory_space<vmem>> -> memref<1x128xi32, #tpu.memory_space<vmem>>
    %dma_start3A_120 = tpu.memref_squeeze %dma_start3A_119 : memref<1x128xi32, #tpu.memory_space<vmem>> -> memref<128xi32, #tpu.memory_space<vmem>>
    %dma_start3A_121 = arith.constant 0 : i32
    %dma_start3A_122 = arith.constant 0 : i32
    %dma_start3A_123 = tpu.memref_slice %arg2[%dma_start3A_121, %dma_start3A_122] : memref<1000000x64xf32, #tpu.memory_space<hbm>> -> memref<1000000x64xf32, #tpu.memory_space<hbm>>
    %dma_start3A_124 = tpu.memref_slice %arg7[%dma_start3A_113] : memref<8x!tpu.dma_semaphore, #tpu.memory_space<semaphore_mem>> -> memref<1x!tpu.dma_semaphore, #tpu.memory_space<semaphore_mem>>
    %dma_start3A_125 = tpu.memref_squeeze %dma_start3A_124 : memref<1x!tpu.dma_semaphore, #tpu.memory_space<semaphore_mem>> -> memref<!tpu.dma_semaphore, #tpu.memory_space<semaphore_mem>>
    tpu.enqueue_indirect_dma source(%dma_start3A_123 : memref<1000000x64xf32, #tpu.memory_space<hbm>>) target(%dma_start3A_117 : memref<128x64xf32, #tpu.memory_space<vmem>>) offsets(%dma_start3A_120 : memref<128xi32, #tpu.memory_space<vmem>>) semaphore(%dma_start3A_125 : memref<!tpu.dma_semaphore, #tpu.memory_space<semaphore_mem>>)
    %dma_wait3A_126 = arith.constant 1 : i32
    %dma_wait3A_127 = arith.constant 1 : i32
    %dma_wait3A_128 = arith.constant 1 : i32
    %dma_wait3A_129 = arith.constant 0 : i32
    %dma_wait3A_130 = arith.constant 0 : i32
    %dma_wait3A_131 = tpu.memref_slice %arg6[%dma_wait3A_127, %dma_wait3A_129, %dma_wait3A_130] : memref<8x128x64xf32, #tpu.memory_space<vmem>> -> memref<1x128x64xf32, #tpu.memory_space<vmem>>
    %dma_wait3A_132 = tpu.memref_squeeze %dma_wait3A_131 : memref<1x128x64xf32, #tpu.memory_space<vmem>> -> memref<128x64xf32, #tpu.memory_space<vmem>>
    %dma_wait3A_133 = arith.constant 0 : i32
    %dma_wait3A_134 = tpu.memref_slice %arg5[%dma_wait3A_126, %dma_wait3A_133] : memref<200x128xi32, #tpu.memory_space<vmem>> -> memref<1x128xi32, #tpu.memory_space<vmem>>
    %dma_wait3A_135 = tpu.memref_squeeze %dma_wait3A_134 : memref<1x128xi32, #tpu.memory_space<vmem>> -> memref<128xi32, #tpu.memory_space<vmem>>
    %dma_wait3A_136 = arith.constant 0 : i32
    %dma_wait3A_137 = arith.constant 0 : i32
    %dma_wait3A_138 = tpu.memref_slice %arg2[%dma_wait3A_136, %dma_wait3A_137] : memref<1000000x64xf32, #tpu.memory_space<hbm>> -> memref<1000000x64xf32, #tpu.memory_space<hbm>>
    %dma_wait3A_139 = tpu.memref_slice %arg7[%dma_wait3A_128] : memref<8x!tpu.dma_semaphore, #tpu.memory_space<semaphore_mem>> -> memref<1x!tpu.dma_semaphore, #tpu.memory_space<semaphore_mem>>
    %dma_wait3A_140 = tpu.memref_squeeze %dma_wait3A_139 : memref<1x!tpu.dma_semaphore, #tpu.memory_space<semaphore_mem>> -> memref<!tpu.dma_semaphore, #tpu.memory_space<semaphore_mem>>
    tpu.wait_indirect_dma semaphore(%dma_wait3A_140 : memref<!tpu.dma_semaphore, #tpu.memory_space<semaphore_mem>>) src(%dma_wait3A_138 : memref<1000000x64xf32, #tpu.memory_space<hbm>>) dst(%dma_wait3A_132 : memref<128x64xf32, #tpu.memory_space<vmem>>)
    %add3A_141 = arith.constant 1 : i32
    %add3A_142 = arith.addi %mul3A_2, %add3A_141 : i32
    %mul3A_143 = arith.constant 128 : i32
    %mul3A_144 = arith.muli %add3A_142, %mul3A_143 : i32
    %dma_start3A_145 = arith.constant 1 : i32
    %dma_start3A_146 = arith.constant 1 : i32
    %dma_start3A_147 = arith.constant 0 : i32
    %dma_start3A_148 = arith.constant 0 : i32
    %dma_start3A_149 = tpu.memref_slice %arg6[%dma_start3A_145, %dma_start3A_147, %dma_start3A_148] : memref<8x128x64xf32, #tpu.memory_space<vmem>> -> memref<1x128x64xf32, #tpu.memory_space<vmem>>
    %dma_start3A_150 = tpu.memref_squeeze %dma_start3A_149 : memref<1x128x64xf32, #tpu.memory_space<vmem>> -> memref<128x64xf32, #tpu.memory_space<vmem>>
    %dma_start3A_151 = arith.constant 0 : i32
    %dma_start3A_152 = tpu.memref_slice %arg4[%mul3A_144, %dma_start3A_151] : memref<819200x64xf32, #tpu.memory_space<hbm>> -> memref<128x64xf32, #tpu.memory_space<hbm>>
    %dma_start3A_153 = tpu.memref_slice %arg8[%dma_start3A_146] : memref<8x!tpu.dma_semaphore, #tpu.memory_space<semaphore_mem>> -> memref<1x!tpu.dma_semaphore, #tpu.memory_space<semaphore_mem>>
    %dma_start3A_154 = tpu.memref_squeeze %dma_start3A_153 : memref<1x!tpu.dma_semaphore, #tpu.memory_space<semaphore_mem>> -> memref<!tpu.dma_semaphore, #tpu.memory_space<semaphore_mem>>
    %dma_start3A_155 = arith.constant 0 : i32
    %dma_start3A_156 = tpu.memref_slice %arg4[%mul3A_144, %dma_start3A_155] : memref<819200x64xf32, #tpu.memory_space<hbm>> -> memref<128x64xf32, #tpu.memory_space<hbm>>
    %dma_start3A_157 = arith.constant 0 : i32
    %dma_start3A_158 = arith.constant 0 : i32
    %dma_start3A_159 = tpu.memref_slice %arg6[%dma_start3A_145, %dma_start3A_157, %dma_start3A_158] : memref<8x128x64xf32, #tpu.memory_space<vmem>> -> memref<1x128x64xf32, #tpu.memory_space<vmem>>
    %dma_start3A_160 = tpu.memref_squeeze %dma_start3A_159 : memref<1x128x64xf32, #tpu.memory_space<vmem>> -> memref<128x64xf32, #tpu.memory_space<vmem>>
    tpu.enqueue_dma source(%dma_start3A_160 : memref<128x64xf32, #tpu.memory_space<vmem>>) target(%dma_start3A_156 : memref<128x64xf32, #tpu.memory_space<hbm>>) target_semaphore(%dma_start3A_154 : memref<!tpu.dma_semaphore, #tpu.memory_space<semaphore_mem>>)
    %dma_start3A_161 = arith.constant 6 : i32
    %dma_start3A_162 = arith.constant 6 : i32
    %dma_start3A_163 = arith.constant 6 : i32
    %dma_start3A_164 = arith.constant 0 : i32
    %dma_start3A_165 = arith.constant 0 : i32
    %dma_start3A_166 = tpu.memref_slice %arg6[%dma_start3A_162, %dma_start3A_164, %dma_start3A_165] : memref<8x128x64xf32, #tpu.memory_space<vmem>> -> memref<1x128x64xf32, #tpu.memory_space<vmem>>
    %dma_start3A_167 = tpu.memref_squeeze %dma_start3A_166 : memref<1x128x64xf32, #tpu.memory_space<vmem>> -> memref<128x64xf32, #tpu.memory_space<vmem>>
    %dma_start3A_168 = arith.constant 0 : i32
    %dma_start3A_169 = tpu.memref_slice %arg5[%dma_start3A_161, %dma_start3A_168] : memref<200x128xi32, #tpu.memory_space<vmem>> -> memref<1x128xi32, #tpu.memory_space<vmem>>
    %dma_start3A_170 = tpu.memref_squeeze %dma_start3A_169 : memref<1x128xi32, #tpu.memory_space<vmem>> -> memref<128xi32, #tpu.memory_space<vmem>>
    %dma_start3A_171 = arith.constant 0 : i32
    %dma_start3A_172 = arith.constant 0 : i32
    %dma_start3A_173 = tpu.memref_slice %arg2[%dma_start3A_171, %dma_start3A_172] : memref<1000000x64xf32, #tpu.memory_space<hbm>> -> memref<1000000x64xf32, #tpu.memory_space<hbm>>
    %dma_start3A_174 = tpu.memref_slice %arg7[%dma_start3A_163] : memref<8x!tpu.dma_semaphore, #tpu.memory_space<semaphore_mem>> -> memref<1x!tpu.dma_semaphore, #tpu.memory_space<semaphore_mem>>
    %dma_start3A_175 = tpu.memref_squeeze %dma_start3A_174 : memref<1x!tpu.dma_semaphore, #tpu.memory_space<semaphore_mem>> -> memref<!tpu.dma_semaphore, #tpu.memory_space<semaphore_mem>>
    tpu.enqueue_indirect_dma source(%dma_start3A_173 : memref<1000000x64xf32, #tpu.memory_space<hbm>>) target(%dma_start3A_167 : memref<128x64xf32, #tpu.memory_space<vmem>>) offsets(%dma_start3A_170 : memref<128xi32, #tpu.memory_space<vmem>>) semaphore(%dma_start3A_175 : memref<!tpu.dma_semaphore, #tpu.memory_space<semaphore_mem>>)
    %dma_wait3A_176 = arith.constant 2 : i32
    %dma_wait3A_177 = arith.constant 2 : i32
    %dma_wait3A_178 = arith.constant 2 : i32
    %dma_wait3A_179 = arith.constant 0 : i32
    %dma_wait3A_180 = arith.constant 0 : i32
    %dma_wait3A_181 = tpu.memref_slice %arg6[%dma_wait3A_177, %dma_wait3A_179, %dma_wait3A_180] : memref<8x128x64xf32, #tpu.memory_space<vmem>> -> memref<1x128x64xf32, #tpu.memory_space<vmem>>
    %dma_wait3A_182 = tpu.memref_squeeze %dma_wait3A_181 : memref<1x128x64xf32, #tpu.memory_space<vmem>> -> memref<128x64xf32, #tpu.memory_space<vmem>>
    %dma_wait3A_183 = arith.constant 0 : i32
    %dma_wait3A_184 = tpu.memref_slice %arg5[%dma_wait3A_176, %dma_wait3A_183] : memref<200x128xi32, #tpu.memory_space<vmem>> -> memref<1x128xi32, #tpu.memory_space<vmem>>
    %dma_wait3A_185 = tpu.memref_squeeze %dma_wait3A_184 : memref<1x128xi32, #tpu.memory_space<vmem>> -> memref<128xi32, #tpu.memory_space<vmem>>
    %dma_wait3A_186 = arith.constant 0 : i32
    %dma_wait3A_187 = arith.constant 0 : i32
    %dma_wait3A_188 = tpu.memref_slice %arg2[%dma_wait3A_186, %dma_wait3A_187] : memref<1000000x64xf32, #tpu.memory_space<hbm>> -> memref<1000000x64xf32, #tpu.memory_space<hbm>>
    %dma_wait3A_189 = tpu.memref_slice %arg7[%dma_wait3A_178] : memref<8x!tpu.dma_semaphore, #tpu.memory_space<semaphore_mem>> -> memref<1x!tpu.dma_semaphore, #tpu.memory_space<semaphore_mem>>
    %dma_wait3A_190 = tpu.memref_squeeze %dma_wait3A_189 : memref<1x!tpu.dma_semaphore, #tpu.memory_space<semaphore_mem>> -> memref<!tpu.dma_semaphore, #tpu.memory_space<semaphore_mem>>
    tpu.wait_indirect_dma semaphore(%dma_wait3A_190 : memref<!tpu.dma_semaphore, #tpu.memory_space<semaphore_mem>>) src(%dma_wait3A_188 : memref<1000000x64xf32, #tpu.memory_space<hbm>>) dst(%dma_wait3A_182 : memref<128x64xf32, #tpu.memory_space<vmem>>)
    %add3A_191 = arith.constant 2 : i32
    %add3A_192 = arith.addi %mul3A_2, %add3A_191 : i32
    %mul3A_193 = arith.constant 128 : i32
    %mul3A_194 = arith.muli %add3A_192, %mul3A_193 : i32
    %dma_start3A_195 = arith.constant 2 : i32
    %dma_start3A_196 = arith.constant 2 : i32
    %dma_start3A_197 = arith.constant 0 : i32
    %dma_start3A_198 = arith.constant 0 : i32
    %dma_start3A_199 = tpu.memref_slice %arg6[%dma_start3A_195, %dma_start3A_197, %dma_start3A_198] : memref<8x128x64xf32, #tpu.memory_space<vmem>> -> memref<1x128x64xf32, #tpu.memory_space<vmem>>
    %dma_start3A_200 = tpu.memref_squeeze %dma_start3A_199 : memref<1x128x64xf32, #tpu.memory_space<vmem>> -> memref<128x64xf32, #tpu.memory_space<vmem>>
    %dma_start3A_201 = arith.constant 0 : i32
    %dma_start3A_202 = tpu.memref_slice %arg4[%mul3A_194, %dma_start3A_201] : memref<819200x64xf32, #tpu.memory_space<hbm>> -> memref<128x64xf32, #tpu.memory_space<hbm>>
    %dma_start3A_203 = tpu.memref_slice %arg8[%dma_start3A_196] : memref<8x!tpu.dma_semaphore, #tpu.memory_space<semaphore_mem>> -> memref<1x!tpu.dma_semaphore, #tpu.memory_space<semaphore_mem>>
    %dma_start3A_204 = tpu.memref_squeeze %dma_start3A_203 : memref<1x!tpu.dma_semaphore, #tpu.memory_space<semaphore_mem>> -> memref<!tpu.dma_semaphore, #tpu.memory_space<semaphore_mem>>
    %dma_start3A_205 = arith.constant 0 : i32
    %dma_start3A_206 = tpu.memref_slice %arg4[%mul3A_194, %dma_start3A_205] : memref<819200x64xf32, #tpu.memory_space<hbm>> -> memref<128x64xf32, #tpu.memory_space<hbm>>
    %dma_start3A_207 = arith.constant 0 : i32
    %dma_start3A_208 = arith.constant 0 : i32
    %dma_start3A_209 = tpu.memref_slice %arg6[%dma_start3A_195, %dma_start3A_207, %dma_start3A_208] : memref<8x128x64xf32, #tpu.memory_space<vmem>> -> memref<1x128x64xf32, #tpu.memory_space<vmem>>
    %dma_start3A_210 = tpu.memref_squeeze %dma_start3A_209 : memref<1x128x64xf32, #tpu.memory_space<vmem>> -> memref<128x64xf32, #tpu.memory_space<vmem>>
    tpu.enqueue_dma source(%dma_start3A_210 : memref<128x64xf32, #tpu.memory_space<vmem>>) target(%dma_start3A_206 : memref<128x64xf32, #tpu.memory_space<hbm>>) target_semaphore(%dma_start3A_204 : memref<!tpu.dma_semaphore, #tpu.memory_space<semaphore_mem>>)
    %dma_start3A_211 = arith.constant 7 : i32
    %dma_start3A_212 = arith.constant 7 : i32
    %dma_start3A_213 = arith.constant 7 : i32
    %dma_start3A_214 = arith.constant 0 : i32
    %dma_start3A_215 = arith.constant 0 : i32
    %dma_start3A_216 = tpu.memref_slice %arg6[%dma_start3A_212, %dma_start3A_214, %dma_start3A_215] : memref<8x128x64xf32, #tpu.memory_space<vmem>> -> memref<1x128x64xf32, #tpu.memory_space<vmem>>
    %dma_start3A_217 = tpu.memref_squeeze %dma_start3A_216 : memref<1x128x64xf32, #tpu.memory_space<vmem>> -> memref<128x64xf32, #tpu.memory_space<vmem>>
    %dma_start3A_218 = arith.constant 0 : i32
    %dma_start3A_219 = tpu.memref_slice %arg5[%dma_start3A_211, %dma_start3A_218] : memref<200x128xi32, #tpu.memory_space<vmem>> -> memref<1x128xi32, #tpu.memory_space<vmem>>
    %dma_start3A_220 = tpu.memref_squeeze %dma_start3A_219 : memref<1x128xi32, #tpu.memory_space<vmem>> -> memref<128xi32, #tpu.memory_space<vmem>>
    %dma_start3A_221 = arith.constant 0 : i32
    %dma_start3A_222 = arith.constant 0 : i32
    %dma_start3A_223 = tpu.memref_slice %arg2[%dma_start3A_221, %dma_start3A_222] : memref<1000000x64xf32, #tpu.memory_space<hbm>> -> memref<1000000x64xf32, #tpu.memory_space<hbm>>
    %dma_start3A_224 = tpu.memref_slice %arg7[%dma_start3A_213] : memref<8x!tpu.dma_semaphore, #tpu.memory_space<semaphore_mem>> -> memref<1x!tpu.dma_semaphore, #tpu.memory_space<semaphore_mem>>
    %dma_start3A_225 = tpu.memref_squeeze %dma_start3A_224 : memref<1x!tpu.dma_semaphore, #tpu.memory_space<semaphore_mem>> -> memref<!tpu.dma_semaphore, #tpu.memory_space<semaphore_mem>>
    tpu.enqueue_indirect_dma source(%dma_start3A_223 : memref<1000000x64xf32, #tpu.memory_space<hbm>>) target(%dma_start3A_217 : memref<128x64xf32, #tpu.memory_space<vmem>>) offsets(%dma_start3A_220 : memref<128xi32, #tpu.memory_space<vmem>>) semaphore(%dma_start3A_225 : memref<!tpu.dma_semaphore, #tpu.memory_space<semaphore_mem>>)
    %dma_wait3A_226 = arith.constant 3 : i32
    %dma_wait3A_227 = arith.constant 3 : i32
    %dma_wait3A_228 = arith.constant 3 : i32
    %dma_wait3A_229 = arith.constant 0 : i32
    %dma_wait3A_230 = arith.constant 0 : i32
    %dma_wait3A_231 = tpu.memref_slice %arg6[%dma_wait3A_227, %dma_wait3A_229, %dma_wait3A_230] : memref<8x128x64xf32, #tpu.memory_space<vmem>> -> memref<1x128x64xf32, #tpu.memory_space<vmem>>
    %dma_wait3A_232 = tpu.memref_squeeze %dma_wait3A_231 : memref<1x128x64xf32, #tpu.memory_space<vmem>> -> memref<128x64xf32, #tpu.memory_space<vmem>>
    %dma_wait3A_233 = arith.constant 0 : i32
    %dma_wait3A_234 = tpu.memref_slice %arg5[%dma_wait3A_226, %dma_wait3A_233] : memref<200x128xi32, #tpu.memory_space<vmem>> -> memref<1x128xi32, #tpu.memory_space<vmem>>
    %dma_wait3A_235 = tpu.memref_squeeze %dma_wait3A_234 : memref<1x128xi32, #tpu.memory_space<vmem>> -> memref<128xi32, #tpu.memory_space<vmem>>
    %dma_wait3A_236 = arith.constant 0 : i32
    %dma_wait3A_237 = arith.constant 0 : i32
    %dma_wait3A_238 = tpu.memref_slice %arg2[%dma_wait3A_236, %dma_wait3A_237] : memref<1000000x64xf32, #tpu.memory_space<hbm>> -> memref<1000000x64xf32, #tpu.memory_space<hbm>>
    %dma_wait3A_239 = tpu.memref_slice %arg7[%dma_wait3A_228] : memref<8x!tpu.dma_semaphore, #tpu.memory_space<semaphore_mem>> -> memref<1x!tpu.dma_semaphore, #tpu.memory_space<semaphore_mem>>
    %dma_wait3A_240 = tpu.memref_squeeze %dma_wait3A_239 : memref<1x!tpu.dma_semaphore, #tpu.memory_space<semaphore_mem>> -> memref<!tpu.dma_semaphore, #tpu.memory_space<semaphore_mem>>
    tpu.wait_indirect_dma semaphore(%dma_wait3A_240 : memref<!tpu.dma_semaphore, #tpu.memory_space<semaphore_mem>>) src(%dma_wait3A_238 : memref<1000000x64xf32, #tpu.memory_space<hbm>>) dst(%dma_wait3A_232 : memref<128x64xf32, #tpu.memory_space<vmem>>)
    %add3A_241 = arith.constant 3 : i32
    %add3A_242 = arith.addi %mul3A_2, %add3A_241 : i32
    %mul3A_243 = arith.constant 128 : i32
    %mul3A_244 = arith.muli %add3A_242, %mul3A_243 : i32
    %dma_start3A_245 = arith.constant 3 : i32
    %dma_start3A_246 = arith.constant 3 : i32
    %dma_start3A_247 = arith.constant 0 : i32
    %dma_start3A_248 = arith.constant 0 : i32
    %dma_start3A_249 = tpu.memref_slice %arg6[%dma_start3A_245, %dma_start3A_247, %dma_start3A_248] : memref<8x128x64xf32, #tpu.memory_space<vmem>> -> memref<1x128x64xf32, #tpu.memory_space<vmem>>
    %dma_start3A_250 = tpu.memref_squeeze %dma_start3A_249 : memref<1x128x64xf32, #tpu.memory_space<vmem>> -> memref<128x64xf32, #tpu.memory_space<vmem>>
    %dma_start3A_251 = arith.constant 0 : i32
    %dma_start3A_252 = tpu.memref_slice %arg4[%mul3A_244, %dma_start3A_251] : memref<819200x64xf32, #tpu.memory_space<hbm>> -> memref<128x64xf32, #tpu.memory_space<hbm>>
    %dma_start3A_253 = tpu.memref_slice %arg8[%dma_start3A_246] : memref<8x!tpu.dma_semaphore, #tpu.memory_space<semaphore_mem>> -> memref<1x!tpu.dma_semaphore, #tpu.memory_space<semaphore_mem>>
    %dma_start3A_254 = tpu.memref_squeeze %dma_start3A_253 : memref<1x!tpu.dma_semaphore, #tpu.memory_space<semaphore_mem>> -> memref<!tpu.dma_semaphore, #tpu.memory_space<semaphore_mem>>
    %dma_start3A_255 = arith.constant 0 : i32
    %dma_start3A_256 = tpu.memref_slice %arg4[%mul3A_244, %dma_start3A_255] : memref<819200x64xf32, #tpu.memory_space<hbm>> -> memref<128x64xf32, #tpu.memory_space<hbm>>
    %dma_start3A_257 = arith.constant 0 : i32
    %dma_start3A_258 = arith.constant 0 : i32
    %dma_start3A_259 = tpu.memref_slice %arg6[%dma_start3A_245, %dma_start3A_257, %dma_start3A_258] : memref<8x128x64xf32, #tpu.memory_space<vmem>> -> memref<1x128x64xf32, #tpu.memory_space<vmem>>
    %dma_start3A_260 = tpu.memref_squeeze %dma_start3A_259 : memref<1x128x64xf32, #tpu.memory_space<vmem>> -> memref<128x64xf32, #tpu.memory_space<vmem>>
    tpu.enqueue_dma source(%dma_start3A_260 : memref<128x64xf32, #tpu.memory_space<vmem>>) target(%dma_start3A_256 : memref<128x64xf32, #tpu.memory_space<hbm>>) target_semaphore(%dma_start3A_254 : memref<!tpu.dma_semaphore, #tpu.memory_space<semaphore_mem>>)
    %scan3A = arith.constant 0 : i32
    %scan3A_261 = arith.constant 1 : i32
    %scan3A_262 = arith.constant 24 : i32
    %scan3A_263 = arith.addi %scan3A_261, %scan3A_262 : i32
    %scan3A_264 = arith.constant 1 : i32
    scf.for %scan3A_566 = %scan3A_261 to %scan3A_263 step %scan3A_264  : i32 {
      %mul3A_567 = arith.constant 8 : i32
      %mul3A_568 = arith.muli %scan3A_566, %mul3A_567 : i32
      %add3A_569 = arith.constant 0 : i32
      %add3A_570 = arith.addi %mul3A_568, %add3A_569 : i32
      %sub3A = arith.constant 8 : i32
      %sub3A_571 = arith.subi %add3A_570, %sub3A : i32
      %add3A_572 = arith.addi %mul3A_2, %sub3A_571 : i32
      %mul3A_573 = arith.constant 128 : i32
      %mul3A_574 = arith.muli %add3A_572, %mul3A_573 : i32
      %dma_wait3A_575 = arith.constant 0 : i32
      %dma_wait3A_576 = arith.constant 0 : i32
      %dma_wait3A_577 = arith.constant 0 : i32
      %dma_wait3A_578 = arith.constant 0 : i32
      %dma_wait3A_579 = tpu.memref_slice %arg6[%dma_wait3A_575, %dma_wait3A_577, %dma_wait3A_578] : memref<8x128x64xf32, #tpu.memory_space<vmem>> -> memref<1x128x64xf32, #tpu.memory_space<vmem>>
      %dma_wait3A_580 = tpu.memref_squeeze %dma_wait3A_579 : memref<1x128x64xf32, #tpu.memory_space<vmem>> -> memref<128x64xf32, #tpu.memory_space<vmem>>
      %dma_wait3A_581 = arith.constant 0 : i32
      %dma_wait3A_582 = tpu.memref_slice %arg4[%mul3A_574, %dma_wait3A_581] : memref<819200x64xf32, #tpu.memory_space<hbm>> -> memref<128x64xf32, #tpu.memory_space<hbm>>
      %dma_wait3A_583 = tpu.memref_slice %arg8[%dma_wait3A_576] : memref<8x!tpu.dma_semaphore, #tpu.memory_space<semaphore_mem>> -> memref<1x!tpu.dma_semaphore, #tpu.memory_space<semaphore_mem>>
      %dma_wait3A_584 = tpu.memref_squeeze %dma_wait3A_583 : memref<1x!tpu.dma_semaphore, #tpu.memory_space<semaphore_mem>> -> memref<!tpu.dma_semaphore, #tpu.memory_space<semaphore_mem>>
      %dma_wait3A_585 = arith.constant 0 : i32
      %dma_wait3A_586 = tpu.memref_slice %arg4[%mul3A_574, %dma_wait3A_585] : memref<819200x64xf32, #tpu.memory_space<hbm>> -> memref<128x64xf32, #tpu.memory_space<hbm>>
      %dma_wait3A_587 = arith.constant 0 : i32
      %dma_wait3A_588 = arith.constant 0 : i32
      %dma_wait3A_589 = tpu.memref_slice %arg6[%dma_wait3A_575, %dma_wait3A_587, %dma_wait3A_588] : memref<8x128x64xf32, #tpu.memory_space<vmem>> -> memref<1x128x64xf32, #tpu.memory_space<vmem>>
      %dma_wait3A_590 = tpu.memref_squeeze %dma_wait3A_589 : memref<1x128x64xf32, #tpu.memory_space<vmem>> -> memref<128x64xf32, #tpu.memory_space<vmem>>
      tpu.wait_dma2 semaphore(%dma_wait3A_584 : memref<!tpu.dma_semaphore, #tpu.memory_space<semaphore_mem>>) src(%dma_wait3A_590 : memref<128x64xf32, #tpu.memory_space<vmem>>) dst(%dma_wait3A_586 : memref<128x64xf32, #tpu.memory_space<hbm>>)
      %dma_start3A_591 = arith.constant 0 : i32
      %dma_start3A_592 = arith.constant 0 : i32
      %dma_start3A_593 = arith.constant 0 : i32
      %dma_start3A_594 = arith.constant 0 : i32
      %dma_start3A_595 = tpu.memref_slice %arg6[%dma_start3A_591, %dma_start3A_593, %dma_start3A_594] : memref<8x128x64xf32, #tpu.memory_space<vmem>> -> memref<1x128x64xf32, #tpu.memory_space<vmem>>
      %dma_start3A_596 = tpu.memref_squeeze %dma_start3A_595 : memref<1x128x64xf32, #tpu.memory_space<vmem>> -> memref<128x64xf32, #tpu.memory_space<vmem>>
      %dma_start3A_597 = arith.constant 0 : i32
      %dma_start3A_598 = tpu.memref_slice %arg5[%add3A_570, %dma_start3A_597] : memref<200x128xi32, #tpu.memory_space<vmem>> -> memref<1x128xi32, #tpu.memory_space<vmem>>
      %dma_start3A_599 = tpu.memref_squeeze %dma_start3A_598 : memref<1x128xi32, #tpu.memory_space<vmem>> -> memref<128xi32, #tpu.memory_space<vmem>>
      %dma_start3A_600 = arith.constant 0 : i32
      %dma_start3A_601 = arith.constant 0 : i32
      %dma_start3A_602 = tpu.memref_slice %arg2[%dma_start3A_600, %dma_start3A_601] : memref<1000000x64xf32, #tpu.memory_space<hbm>> -> memref<1000000x64xf32, #tpu.memory_space<hbm>>
      %dma_start3A_603 = tpu.memref_slice %arg7[%dma_start3A_592] : memref<8x!tpu.dma_semaphore, #tpu.memory_space<semaphore_mem>> -> memref<1x!tpu.dma_semaphore, #tpu.memory_space<semaphore_mem>>
      %dma_start3A_604 = tpu.memref_squeeze %dma_start3A_603 : memref<1x!tpu.dma_semaphore, #tpu.memory_space<semaphore_mem>> -> memref<!tpu.dma_semaphore, #tpu.memory_space<semaphore_mem>>
      tpu.enqueue_indirect_dma source(%dma_start3A_602 : memref<1000000x64xf32, #tpu.memory_space<hbm>>) target(%dma_start3A_596 : memref<128x64xf32, #tpu.memory_space<vmem>>) offsets(%dma_start3A_599 : memref<128xi32, #tpu.memory_space<vmem>>) semaphore(%dma_start3A_604 : memref<!tpu.dma_semaphore, #tpu.memory_space<semaphore_mem>>)
      %sub3A_605 = arith.constant 4 : i32
      %sub3A_606 = arith.subi %add3A_570, %sub3A_605 : i32
      %dma_wait3A_607 = arith.constant 4 : i32
      %dma_wait3A_608 = arith.constant 4 : i32
      %dma_wait3A_609 = arith.constant 0 : i32
      %dma_wait3A_610 = arith.constant 0 : i32
      %dma_wait3A_611 = tpu.memref_slice %arg6[%dma_wait3A_607, %dma_wait3A_609, %dma_wait3A_610] : memref<8x128x64xf32, #tpu.memory_space<vmem>> -> memref<1x128x64xf32, #tpu.memory_space<vmem>>
      %dma_wait3A_612 = tpu.memref_squeeze %dma_wait3A_611 : memref<1x128x64xf32, #tpu.memory_space<vmem>> -> memref<128x64xf32, #tpu.memory_space<vmem>>
      %dma_wait3A_613 = arith.constant 0 : i32
      %dma_wait3A_614 = tpu.memref_slice %arg5[%sub3A_606, %dma_wait3A_613] : memref<200x128xi32, #tpu.memory_space<vmem>> -> memref<1x128xi32, #tpu.memory_space<vmem>>
      %dma_wait3A_615 = tpu.memref_squeeze %dma_wait3A_614 : memref<1x128xi32, #tpu.memory_space<vmem>> -> memref<128xi32, #tpu.memory_space<vmem>>
      %dma_wait3A_616 = arith.constant 0 : i32
      %dma_wait3A_617 = arith.constant 0 : i32
      %dma_wait3A_618 = tpu.memref_slice %arg2[%dma_wait3A_616, %dma_wait3A_617] : memref<1000000x64xf32, #tpu.memory_space<hbm>> -> memref<1000000x64xf32, #tpu.memory_space<hbm>>
      %dma_wait3A_619 = tpu.memref_slice %arg7[%dma_wait3A_608] : memref<8x!tpu.dma_semaphore, #tpu.memory_space<semaphore_mem>> -> memref<1x!tpu.dma_semaphore, #tpu.memory_space<semaphore_mem>>
      %dma_wait3A_620 = tpu.memref_squeeze %dma_wait3A_619 : memref<1x!tpu.dma_semaphore, #tpu.memory_space<semaphore_mem>> -> memref<!tpu.dma_semaphore, #tpu.memory_space<semaphore_mem>>
      tpu.wait_indirect_dma semaphore(%dma_wait3A_620 : memref<!tpu.dma_semaphore, #tpu.memory_space<semaphore_mem>>) src(%dma_wait3A_618 : memref<1000000x64xf32, #tpu.memory_space<hbm>>) dst(%dma_wait3A_612 : memref<128x64xf32, #tpu.memory_space<vmem>>)
      %add3A_621 = arith.addi %mul3A_2, %sub3A_606 : i32
      %mul3A_622 = arith.constant 128 : i32
      %mul3A_623 = arith.muli %add3A_621, %mul3A_622 : i32
      %dma_start3A_624 = arith.constant 4 : i32
      %dma_start3A_625 = arith.constant 4 : i32
      %dma_start3A_626 = arith.constant 0 : i32
      %dma_start3A_627 = arith.constant 0 : i32
      %dma_start3A_628 = tpu.memref_slice %arg6[%dma_start3A_624, %dma_start3A_626, %dma_start3A_627] : memref<8x128x64xf32, #tpu.memory_space<vmem>> -> memref<1x128x64xf32, #tpu.memory_space<vmem>>
      %dma_start3A_629 = tpu.memref_squeeze %dma_start3A_628 : memref<1x128x64xf32, #tpu.memory_space<vmem>> -> memref<128x64xf32, #tpu.memory_space<vmem>>
      %dma_start3A_630 = arith.constant 0 : i32
      %dma_start3A_631 = tpu.memref_slice %arg4[%mul3A_623, %dma_start3A_630] : memref<819200x64xf32, #tpu.memory_space<hbm>> -> memref<128x64xf32, #tpu.memory_space<hbm>>
      %dma_start3A_632 = tpu.memref_slice %arg8[%dma_start3A_625] : memref<8x!tpu.dma_semaphore, #tpu.memory_space<semaphore_mem>> -> memref<1x!tpu.dma_semaphore, #tpu.memory_space<semaphore_mem>>
      %dma_start3A_633 = tpu.memref_squeeze %dma_start3A_632 : memref<1x!tpu.dma_semaphore, #tpu.memory_space<semaphore_mem>> -> memref<!tpu.dma_semaphore, #tpu.memory_space<semaphore_mem>>
      %dma_start3A_634 = arith.constant 0 : i32
      %dma_start3A_635 = tpu.memref_slice %arg4[%mul3A_623, %dma_start3A_634] : memref<819200x64xf32, #tpu.memory_space<hbm>> -> memref<128x64xf32, #tpu.memory_space<hbm>>
      %dma_start3A_636 = arith.constant 0 : i32
      %dma_start3A_637 = arith.constant 0 : i32
      %dma_start3A_638 = tpu.memref_slice %arg6[%dma_start3A_624, %dma_start3A_636, %dma_start3A_637] : memref<8x128x64xf32, #tpu.memory_space<vmem>> -> memref<1x128x64xf32, #tpu.memory_space<vmem>>
      %dma_start3A_639 = tpu.memref_squeeze %dma_start3A_638 : memref<1x128x64xf32, #tpu.memory_space<vmem>> -> memref<128x64xf32, #tpu.memory_space<vmem>>
      tpu.enqueue_dma source(%dma_start3A_639 : memref<128x64xf32, #tpu.memory_space<vmem>>) target(%dma_start3A_635 : memref<128x64xf32, #tpu.memory_space<hbm>>) target_semaphore(%dma_start3A_633 : memref<!tpu.dma_semaphore, #tpu.memory_space<semaphore_mem>>)
      %mul3A_640 = arith.constant 8 : i32
      %mul3A_641 = arith.muli %scan3A_566, %mul3A_640 : i32
      %add3A_642 = arith.constant 1 : i32
      %add3A_643 = arith.addi %mul3A_641, %add3A_642 : i32
      %sub3A_644 = arith.constant 8 : i32
      %sub3A_645 = arith.subi %add3A_643, %sub3A_644 : i32
      %add3A_646 = arith.addi %mul3A_2, %sub3A_645 : i32
      %mul3A_647 = arith.constant 128 : i32
      %mul3A_648 = arith.muli %add3A_646, %mul3A_647 : i32
      %dma_wait3A_649 = arith.constant 1 : i32
      %dma_wait3A_650 = arith.constant 1 : i32
      %dma_wait3A_651 = arith.constant 0 : i32
      %dma_wait3A_652 = arith.constant 0 : i32
      %dma_wait3A_653 = tpu.memref_slice %arg6[%dma_wait3A_649, %dma_wait3A_651, %dma_wait3A_652] : memref<8x128x64xf32, #tpu.memory_space<vmem>> -> memref<1x128x64xf32, #tpu.memory_space<vmem>>
      %dma_wait3A_654 = tpu.memref_squeeze %dma_wait3A_653 : memref<1x128x64xf32, #tpu.memory_space<vmem>> -> memref<128x64xf32, #tpu.memory_space<vmem>>
      %dma_wait3A_655 = arith.constant 0 : i32
      %dma_wait3A_656 = tpu.memref_slice %arg4[%mul3A_648, %dma_wait3A_655] : memref<819200x64xf32, #tpu.memory_space<hbm>> -> memref<128x64xf32, #tpu.memory_space<hbm>>
      %dma_wait3A_657 = tpu.memref_slice %arg8[%dma_wait3A_650] : memref<8x!tpu.dma_semaphore, #tpu.memory_space<semaphore_mem>> -> memref<1x!tpu.dma_semaphore, #tpu.memory_space<semaphore_mem>>
      %dma_wait3A_658 = tpu.memref_squeeze %dma_wait3A_657 : memref<1x!tpu.dma_semaphore, #tpu.memory_space<semaphore_mem>> -> memref<!tpu.dma_semaphore, #tpu.memory_space<semaphore_mem>>
      %dma_wait3A_659 = arith.constant 0 : i32
      %dma_wait3A_660 = tpu.memref_slice %arg4[%mul3A_648, %dma_wait3A_659] : memref<819200x64xf32, #tpu.memory_space<hbm>> -> memref<128x64xf32, #tpu.memory_space<hbm>>
      %dma_wait3A_661 = arith.constant 0 : i32
      %dma_wait3A_662 = arith.constant 0 : i32
      %dma_wait3A_663 = tpu.memref_slice %arg6[%dma_wait3A_649, %dma_wait3A_661, %dma_wait3A_662] : memref<8x128x64xf32, #tpu.memory_space<vmem>> -> memref<1x128x64xf32, #tpu.memory_space<vmem>>
      %dma_wait3A_664 = tpu.memref_squeeze %dma_wait3A_663 : memref<1x128x64xf32, #tpu.memory_space<vmem>> -> memref<128x64xf32, #tpu.memory_space<vmem>>
      tpu.wait_dma2 semaphore(%dma_wait3A_658 : memref<!tpu.dma_semaphore, #tpu.memory_space<semaphore_mem>>) src(%dma_wait3A_664 : memref<128x64xf32, #tpu.memory_space<vmem>>) dst(%dma_wait3A_660 : memref<128x64xf32, #tpu.memory_space<hbm>>)
      %dma_start3A_665 = arith.constant 1 : i32
      %dma_start3A_666 = arith.constant 1 : i32
      %dma_start3A_667 = arith.constant 0 : i32
      %dma_start3A_668 = arith.constant 0 : i32
      %dma_start3A_669 = tpu.memref_slice %arg6[%dma_start3A_665, %dma_start3A_667, %dma_start3A_668] : memref<8x128x64xf32, #tpu.memory_space<vmem>> -> memref<1x128x64xf32, #tpu.memory_space<vmem>>
      %dma_start3A_670 = tpu.memref_squeeze %dma_start3A_669 : memref<1x128x64xf32, #tpu.memory_space<vmem>> -> memref<128x64xf32, #tpu.memory_space<vmem>>
      %dma_start3A_671 = arith.constant 0 : i32
      %dma_start3A_672 = tpu.memref_slice %arg5[%add3A_643, %dma_start3A_671] : memref<200x128xi32, #tpu.memory_space<vmem>> -> memref<1x128xi32, #tpu.memory_space<vmem>>
      %dma_start3A_673 = tpu.memref_squeeze %dma_start3A_672 : memref<1x128xi32, #tpu.memory_space<vmem>> -> memref<128xi32, #tpu.memory_space<vmem>>
      %dma_start3A_674 = arith.constant 0 : i32
      %dma_start3A_675 = arith.constant 0 : i32
      %dma_start3A_676 = tpu.memref_slice %arg2[%dma_start3A_674, %dma_start3A_675] : memref<1000000x64xf32, #tpu.memory_space<hbm>> -> memref<1000000x64xf32, #tpu.memory_space<hbm>>
      %dma_start3A_677 = tpu.memref_slice %arg7[%dma_start3A_666] : memref<8x!tpu.dma_semaphore, #tpu.memory_space<semaphore_mem>> -> memref<1x!tpu.dma_semaphore, #tpu.memory_space<semaphore_mem>>
      %dma_start3A_678 = tpu.memref_squeeze %dma_start3A_677 : memref<1x!tpu.dma_semaphore, #tpu.memory_space<semaphore_mem>> -> memref<!tpu.dma_semaphore, #tpu.memory_space<semaphore_mem>>
      tpu.enqueue_indirect_dma source(%dma_start3A_676 : memref<1000000x64xf32, #tpu.memory_space<hbm>>) target(%dma_start3A_670 : memref<128x64xf32, #tpu.memory_space<vmem>>) offsets(%dma_start3A_673 : memref<128xi32, #tpu.memory_space<vmem>>) semaphore(%dma_start3A_678 : memref<!tpu.dma_semaphore, #tpu.memory_space<semaphore_mem>>)
      %sub3A_679 = arith.constant 4 : i32
      %sub3A_680 = arith.subi %add3A_643, %sub3A_679 : i32
      %dma_wait3A_681 = arith.constant 5 : i32
      %dma_wait3A_682 = arith.constant 5 : i32
      %dma_wait3A_683 = arith.constant 0 : i32
      %dma_wait3A_684 = arith.constant 0 : i32
      %dma_wait3A_685 = tpu.memref_slice %arg6[%dma_wait3A_681, %dma_wait3A_683, %dma_wait3A_684] : memref<8x128x64xf32, #tpu.memory_space<vmem>> -> memref<1x128x64xf32, #tpu.memory_space<vmem>>
      %dma_wait3A_686 = tpu.memref_squeeze %dma_wait3A_685 : memref<1x128x64xf32, #tpu.memory_space<vmem>> -> memref<128x64xf32, #tpu.memory_space<vmem>>
      %dma_wait3A_687 = arith.constant 0 : i32
      %dma_wait3A_688 = tpu.memref_slice %arg5[%sub3A_680, %dma_wait3A_687] : memref<200x128xi32, #tpu.memory_space<vmem>> -> memref<1x128xi32, #tpu.memory_space<vmem>>
      %dma_wait3A_689 = tpu.memref_squeeze %dma_wait3A_688 : memref<1x128xi32, #tpu.memory_space<vmem>> -> memref<128xi32, #tpu.memory_space<vmem>>
      %dma_wait3A_690 = arith.constant 0 : i32
      %dma_wait3A_691 = arith.constant 0 : i32
      %dma_wait3A_692 = tpu.memref_slice %arg2[%dma_wait3A_690, %dma_wait3A_691] : memref<1000000x64xf32, #tpu.memory_space<hbm>> -> memref<1000000x64xf32, #tpu.memory_space<hbm>>
      %dma_wait3A_693 = tpu.memref_slice %arg7[%dma_wait3A_682] : memref<8x!tpu.dma_semaphore, #tpu.memory_space<semaphore_mem>> -> memref<1x!tpu.dma_semaphore, #tpu.memory_space<semaphore_mem>>
      %dma_wait3A_694 = tpu.memref_squeeze %dma_wait3A_693 : memref<1x!tpu.dma_semaphore, #tpu.memory_space<semaphore_mem>> -> memref<!tpu.dma_semaphore, #tpu.memory_space<semaphore_mem>>
      tpu.wait_indirect_dma semaphore(%dma_wait3A_694 : memref<!tpu.dma_semaphore, #tpu.memory_space<semaphore_mem>>) src(%dma_wait3A_692 : memref<1000000x64xf32, #tpu.memory_space<hbm>>) dst(%dma_wait3A_686 : memref<128x64xf32, #tpu.memory_space<vmem>>)
      %add3A_695 = arith.addi %mul3A_2, %sub3A_680 : i32
      %mul3A_696 = arith.constant 128 : i32
      %mul3A_697 = arith.muli %add3A_695, %mul3A_696 : i32
      %dma_start3A_698 = arith.constant 5 : i32
      %dma_start3A_699 = arith.constant 5 : i32
      %dma_start3A_700 = arith.constant 0 : i32
      %dma_start3A_701 = arith.constant 0 : i32
      %dma_start3A_702 = tpu.memref_slice %arg6[%dma_start3A_698, %dma_start3A_700, %dma_start3A_701] : memref<8x128x64xf32, #tpu.memory_space<vmem>> -> memref<1x128x64xf32, #tpu.memory_space<vmem>>
      %dma_start3A_703 = tpu.memref_squeeze %dma_start3A_702 : memref<1x128x64xf32, #tpu.memory_space<vmem>> -> memref<128x64xf32, #tpu.memory_space<vmem>>
      %dma_start3A_704 = arith.constant 0 : i32
      %dma_start3A_705 = tpu.memref_slice %arg4[%mul3A_697, %dma_start3A_704] : memref<819200x64xf32, #tpu.memory_space<hbm>> -> memref<128x64xf32, #tpu.memory_space<hbm>>
      %dma_start3A_706 = tpu.memref_slice %arg8[%dma_start3A_699] : memref<8x!tpu.dma_semaphore, #tpu.memory_space<semaphore_mem>> -> memref<1x!tpu.dma_semaphore, #tpu.memory_space<semaphore_mem>>
      %dma_start3A_707 = tpu.memref_squeeze %dma_start3A_706 : memref<1x!tpu.dma_semaphore, #tpu.memory_space<semaphore_mem>> -> memref<!tpu.dma_semaphore, #tpu.memory_space<semaphore_mem>>
      %dma_start3A_708 = arith.constant 0 : i32
      %dma_start3A_709 = tpu.memref_slice %arg4[%mul3A_697, %dma_start3A_708] : memref<819200x64xf32, #tpu.memory_space<hbm>> -> memref<128x64xf32, #tpu.memory_space<hbm>>
      %dma_start3A_710 = arith.constant 0 : i32
      %dma_start3A_711 = arith.constant 0 : i32
      %dma_start3A_712 = tpu.memref_slice %arg6[%dma_start3A_698, %dma_start3A_710, %dma_start3A_711] : memref<8x128x64xf32, #tpu.memory_space<vmem>> -> memref<1x128x64xf32, #tpu.memory_space<vmem>>
      %dma_start3A_713 = tpu.memref_squeeze %dma_start3A_712 : memref<1x128x64xf32, #tpu.memory_space<vmem>> -> memref<128x64xf32, #tpu.memory_space<vmem>>
      tpu.enqueue_dma source(%dma_start3A_713 : memref<128x64xf32, #tpu.memory_space<vmem>>) target(%dma_start3A_709 : memref<128x64xf32, #tpu.memory_space<hbm>>) target_semaphore(%dma_start3A_707 : memref<!tpu.dma_semaphore, #tpu.memory_space<semaphore_mem>>)
      %mul3A_714 = arith.constant 8 : i32
      %mul3A_715 = arith.muli %scan3A_566, %mul3A_714 : i32
      %add3A_716 = arith.constant 2 : i32
      %add3A_717 = arith.addi %mul3A_715, %add3A_716 : i32
      %sub3A_718 = arith.constant 8 : i32
      %sub3A_719 = arith.subi %add3A_717, %sub3A_718 : i32
      %add3A_720 = arith.addi %mul3A_2, %sub3A_719 : i32
      %mul3A_721 = arith.constant 128 : i32
      %mul3A_722 = arith.muli %add3A_720, %mul3A_721 : i32
      %dma_wait3A_723 = arith.constant 2 : i32
      %dma_wait3A_724 = arith.constant 2 : i32
      %dma_wait3A_725 = arith.constant 0 : i32
      %dma_wait3A_726 = arith.constant 0 : i32
      %dma_wait3A_727 = tpu.memref_slice %arg6[%dma_wait3A_723, %dma_wait3A_725, %dma_wait3A_726] : memref<8x128x64xf32, #tpu.memory_space<vmem>> -> memref<1x128x64xf32, #tpu.memory_space<vmem>>
      %dma_wait3A_728 = tpu.memref_squeeze %dma_wait3A_727 : memref<1x128x64xf32, #tpu.memory_space<vmem>> -> memref<128x64xf32, #tpu.memory_space<vmem>>
      %dma_wait3A_729 = arith.constant 0 : i32
      %dma_wait3A_730 = tpu.memref_slice %arg4[%mul3A_722, %dma_wait3A_729] : memref<819200x64xf32, #tpu.memory_space<hbm>> -> memref<128x64xf32, #tpu.memory_space<hbm>>
      %dma_wait3A_731 = tpu.memref_slice %arg8[%dma_wait3A_724] : memref<8x!tpu.dma_semaphore, #tpu.memory_space<semaphore_mem>> -> memref<1x!tpu.dma_semaphore, #tpu.memory_space<semaphore_mem>>
      %dma_wait3A_732 = tpu.memref_squeeze %dma_wait3A_731 : memref<1x!tpu.dma_semaphore, #tpu.memory_space<semaphore_mem>> -> memref<!tpu.dma_semaphore, #tpu.memory_space<semaphore_mem>>
      %dma_wait3A_733 = arith.constant 0 : i32
      %dma_wait3A_734 = tpu.memref_slice %arg4[%mul3A_722, %dma_wait3A_733] : memref<819200x64xf32, #tpu.memory_space<hbm>> -> memref<128x64xf32, #tpu.memory_space<hbm>>
      %dma_wait3A_735 = arith.constant 0 : i32
      %dma_wait3A_736 = arith.constant 0 : i32
      %dma_wait3A_737 = tpu.memref_slice %arg6[%dma_wait3A_723, %dma_wait3A_735, %dma_wait3A_736] : memref<8x128x64xf32, #tpu.memory_space<vmem>> -> memref<1x128x64xf32, #tpu.memory_space<vmem>>
      %dma_wait3A_738 = tpu.memref_squeeze %dma_wait3A_737 : memref<1x128x64xf32, #tpu.memory_space<vmem>> -> memref<128x64xf32, #tpu.memory_space<vmem>>
      tpu.wait_dma2 semaphore(%dma_wait3A_732 : memref<!tpu.dma_semaphore, #tpu.memory_space<semaphore_mem>>) src(%dma_wait3A_738 : memref<128x64xf32, #tpu.memory_space<vmem>>) dst(%dma_wait3A_734 : memref<128x64xf32, #tpu.memory_space<hbm>>)
      %dma_start3A_739 = arith.constant 2 : i32
      %dma_start3A_740 = arith.constant 2 : i32
      %dma_start3A_741 = arith.constant 0 : i32
      %dma_start3A_742 = arith.constant 0 : i32
      %dma_start3A_743 = tpu.memref_slice %arg6[%dma_start3A_739, %dma_start3A_741, %dma_start3A_742] : memref<8x128x64xf32, #tpu.memory_space<vmem>> -> memref<1x128x64xf32, #tpu.memory_space<vmem>>
      %dma_start3A_744 = tpu.memref_squeeze %dma_start3A_743 : memref<1x128x64xf32, #tpu.memory_space<vmem>> -> memref<128x64xf32, #tpu.memory_space<vmem>>
      %dma_start3A_745 = arith.constant 0 : i32
      %dma_start3A_746 = tpu.memref_slice %arg5[%add3A_717, %dma_start3A_745] : memref<200x128xi32, #tpu.memory_space<vmem>> -> memref<1x128xi32, #tpu.memory_space<vmem>>
      %dma_start3A_747 = tpu.memref_squeeze %dma_start3A_746 : memref<1x128xi32, #tpu.memory_space<vmem>> -> memref<128xi32, #tpu.memory_space<vmem>>
      %dma_start3A_748 = arith.constant 0 : i32
      %dma_start3A_749 = arith.constant 0 : i32
      %dma_start3A_750 = tpu.memref_slice %arg2[%dma_start3A_748, %dma_start3A_749] : memref<1000000x64xf32, #tpu.memory_space<hbm>> -> memref<1000000x64xf32, #tpu.memory_space<hbm>>
      %dma_start3A_751 = tpu.memref_slice %arg7[%dma_start3A_740] : memref<8x!tpu.dma_semaphore, #tpu.memory_space<semaphore_mem>> -> memref<1x!tpu.dma_semaphore, #tpu.memory_space<semaphore_mem>>
      %dma_start3A_752 = tpu.memref_squeeze %dma_start3A_751 : memref<1x!tpu.dma_semaphore, #tpu.memory_space<semaphore_mem>> -> memref<!tpu.dma_semaphore, #tpu.memory_space<semaphore_mem>>
      tpu.enqueue_indirect_dma source(%dma_start3A_750 : memref<1000000x64xf32, #tpu.memory_space<hbm>>) target(%dma_start3A_744 : memref<128x64xf32, #tpu.memory_space<vmem>>) offsets(%dma_start3A_747 : memref<128xi32, #tpu.memory_space<vmem>>) semaphore(%dma_start3A_752 : memref<!tpu.dma_semaphore, #tpu.memory_space<semaphore_mem>>)
      %sub3A_753 = arith.constant 4 : i32
      %sub3A_754 = arith.subi %add3A_717, %sub3A_753 : i32
      %dma_wait3A_755 = arith.constant 6 : i32
      %dma_wait3A_756 = arith.constant 6 : i32
      %dma_wait3A_757 = arith.constant 0 : i32
      %dma_wait3A_758 = arith.constant 0 : i32
      %dma_wait3A_759 = tpu.memref_slice %arg6[%dma_wait3A_755, %dma_wait3A_757, %dma_wait3A_758] : memref<8x128x64xf32, #tpu.memory_space<vmem>> -> memref<1x128x64xf32, #tpu.memory_space<vmem>>
      %dma_wait3A_760 = tpu.memref_squeeze %dma_wait3A_759 : memref<1x128x64xf32, #tpu.memory_space<vmem>> -> memref<128x64xf32, #tpu.memory_space<vmem>>
      %dma_wait3A_761 = arith.constant 0 : i32
      %dma_wait3A_762 = tpu.memref_slice %arg5[%sub3A_754, %dma_wait3A_761] : memref<200x128xi32, #tpu.memory_space<vmem>> -> memref<1x128xi32, #tpu.memory_space<vmem>>
      %dma_wait3A_763 = tpu.memref_squeeze %dma_wait3A_762 : memref<1x128xi32, #tpu.memory_space<vmem>> -> memref<128xi32, #tpu.memory_space<vmem>>
      %dma_wait3A_764 = arith.constant 0 : i32
      %dma_wait3A_765 = arith.constant 0 : i32
      %dma_wait3A_766 = tpu.memref_slice %arg2[%dma_wait3A_764, %dma_wait3A_765] : memref<1000000x64xf32, #tpu.memory_space<hbm>> -> memref<1000000x64xf32, #tpu.memory_space<hbm>>
      %dma_wait3A_767 = tpu.memref_slice %arg7[%dma_wait3A_756] : memref<8x!tpu.dma_semaphore, #tpu.memory_space<semaphore_mem>> -> memref<1x!tpu.dma_semaphore, #tpu.memory_space<semaphore_mem>>
      %dma_wait3A_768 = tpu.memref_squeeze %dma_wait3A_767 : memref<1x!tpu.dma_semaphore, #tpu.memory_space<semaphore_mem>> -> memref<!tpu.dma_semaphore, #tpu.memory_space<semaphore_mem>>
      tpu.wait_indirect_dma semaphore(%dma_wait3A_768 : memref<!tpu.dma_semaphore, #tpu.memory_space<semaphore_mem>>) src(%dma_wait3A_766 : memref<1000000x64xf32, #tpu.memory_space<hbm>>) dst(%dma_wait3A_760 : memref<128x64xf32, #tpu.memory_space<vmem>>)
      %add3A_769 = arith.addi %mul3A_2, %sub3A_754 : i32
      %mul3A_770 = arith.constant 128 : i32
      %mul3A_771 = arith.muli %add3A_769, %mul3A_770 : i32
      %dma_start3A_772 = arith.constant 6 : i32
      %dma_start3A_773 = arith.constant 6 : i32
      %dma_start3A_774 = arith.constant 0 : i32
      %dma_start3A_775 = arith.constant 0 : i32
      %dma_start3A_776 = tpu.memref_slice %arg6[%dma_start3A_772, %dma_start3A_774, %dma_start3A_775] : memref<8x128x64xf32, #tpu.memory_space<vmem>> -> memref<1x128x64xf32, #tpu.memory_space<vmem>>
      %dma_start3A_777 = tpu.memref_squeeze %dma_start3A_776 : memref<1x128x64xf32, #tpu.memory_space<vmem>> -> memref<128x64xf32, #tpu.memory_space<vmem>>
      %dma_start3A_778 = arith.constant 0 : i32
      %dma_start3A_779 = tpu.memref_slice %arg4[%mul3A_771, %dma_start3A_778] : memref<819200x64xf32, #tpu.memory_space<hbm>> -> memref<128x64xf32, #tpu.memory_space<hbm>>
      %dma_start3A_780 = tpu.memref_slice %arg8[%dma_start3A_773] : memref<8x!tpu.dma_semaphore, #tpu.memory_space<semaphore_mem>> -> memref<1x!tpu.dma_semaphore, #tpu.memory_space<semaphore_mem>>
      %dma_start3A_781 = tpu.memref_squeeze %dma_start3A_780 : memref<1x!tpu.dma_semaphore, #tpu.memory_space<semaphore_mem>> -> memref<!tpu.dma_semaphore, #tpu.memory_space<semaphore_mem>>
      %dma_start3A_782 = arith.constant 0 : i32
      %dma_start3A_783 = tpu.memref_slice %arg4[%mul3A_771, %dma_start3A_782] : memref<819200x64xf32, #tpu.memory_space<hbm>> -> memref<128x64xf32, #tpu.memory_space<hbm>>
      %dma_start3A_784 = arith.constant 0 : i32
      %dma_start3A_785 = arith.constant 0 : i32
      %dma_start3A_786 = tpu.memref_slice %arg6[%dma_start3A_772, %dma_start3A_784, %dma_start3A_785] : memref<8x128x64xf32, #tpu.memory_space<vmem>> -> memref<1x128x64xf32, #tpu.memory_space<vmem>>
      %dma_start3A_787 = tpu.memref_squeeze %dma_start3A_786 : memref<1x128x64xf32, #tpu.memory_space<vmem>> -> memref<128x64xf32, #tpu.memory_space<vmem>>
      tpu.enqueue_dma source(%dma_start3A_787 : memref<128x64xf32, #tpu.memory_space<vmem>>) target(%dma_start3A_783 : memref<128x64xf32, #tpu.memory_space<hbm>>) target_semaphore(%dma_start3A_781 : memref<!tpu.dma_semaphore, #tpu.memory_space<semaphore_mem>>)
      %mul3A_788 = arith.constant 8 : i32
      %mul3A_789 = arith.muli %scan3A_566, %mul3A_788 : i32
      %add3A_790 = arith.constant 3 : i32
      %add3A_791 = arith.addi %mul3A_789, %add3A_790 : i32
      %sub3A_792 = arith.constant 8 : i32
      %sub3A_793 = arith.subi %add3A_791, %sub3A_792 : i32
      %add3A_794 = arith.addi %mul3A_2, %sub3A_793 : i32
      %mul3A_795 = arith.constant 128 : i32
      %mul3A_796 = arith.muli %add3A_794, %mul3A_795 : i32
      %dma_wait3A_797 = arith.constant 3 : i32
      %dma_wait3A_798 = arith.constant 3 : i32
      %dma_wait3A_799 = arith.constant 0 : i32
      %dma_wait3A_800 = arith.constant 0 : i32
      %dma_wait3A_801 = tpu.memref_slice %arg6[%dma_wait3A_797, %dma_wait3A_799, %dma_wait3A_800] : memref<8x128x64xf32, #tpu.memory_space<vmem>> -> memref<1x128x64xf32, #tpu.memory_space<vmem>>
      %dma_wait3A_802 = tpu.memref_squeeze %dma_wait3A_801 : memref<1x128x64xf32, #tpu.memory_space<vmem>> -> memref<128x64xf32, #tpu.memory_space<vmem>>
      %dma_wait3A_803 = arith.constant 0 : i32
      %dma_wait3A_804 = tpu.memref_slice %arg4[%mul3A_796, %dma_wait3A_803] : memref<819200x64xf32, #tpu.memory_space<hbm>> -> memref<128x64xf32, #tpu.memory_space<hbm>>
      %dma_wait3A_805 = tpu.memref_slice %arg8[%dma_wait3A_798] : memref<8x!tpu.dma_semaphore, #tpu.memory_space<semaphore_mem>> -> memref<1x!tpu.dma_semaphore, #tpu.memory_space<semaphore_mem>>
      %dma_wait3A_806 = tpu.memref_squeeze %dma_wait3A_805 : memref<1x!tpu.dma_semaphore, #tpu.memory_space<semaphore_mem>> -> memref<!tpu.dma_semaphore, #tpu.memory_space<semaphore_mem>>
      %dma_wait3A_807 = arith.constant 0 : i32
      %dma_wait3A_808 = tpu.memref_slice %arg4[%mul3A_796, %dma_wait3A_807] : memref<819200x64xf32, #tpu.memory_space<hbm>> -> memref<128x64xf32, #tpu.memory_space<hbm>>
      %dma_wait3A_809 = arith.constant 0 : i32
      %dma_wait3A_810 = arith.constant 0 : i32
      %dma_wait3A_811 = tpu.memref_slice %arg6[%dma_wait3A_797, %dma_wait3A_809, %dma_wait3A_810] : memref<8x128x64xf32, #tpu.memory_space<vmem>> -> memref<1x128x64xf32, #tpu.memory_space<vmem>>
      %dma_wait3A_812 = tpu.memref_squeeze %dma_wait3A_811 : memref<1x128x64xf32, #tpu.memory_space<vmem>> -> memref<128x64xf32, #tpu.memory_space<vmem>>
      tpu.wait_dma2 semaphore(%dma_wait3A_806 : memref<!tpu.dma_semaphore, #tpu.memory_space<semaphore_mem>>) src(%dma_wait3A_812 : memref<128x64xf32, #tpu.memory_space<vmem>>) dst(%dma_wait3A_808 : memref<128x64xf32, #tpu.memory_space<hbm>>)
      %dma_start3A_813 = arith.constant 3 : i32
      %dma_start3A_814 = arith.constant 3 : i32
      %dma_start3A_815 = arith.constant 0 : i32
      %dma_start3A_816 = arith.constant 0 : i32
      %dma_start3A_817 = tpu.memref_slice %arg6[%dma_start3A_813, %dma_start3A_815, %dma_start3A_816] : memref<8x128x64xf32, #tpu.memory_space<vmem>> -> memref<1x128x64xf32, #tpu.memory_space<vmem>>
      %dma_start3A_818 = tpu.memref_squeeze %dma_start3A_817 : memref<1x128x64xf32, #tpu.memory_space<vmem>> -> memref<128x64xf32, #tpu.memory_space<vmem>>
      %dma_start3A_819 = arith.constant 0 : i32
      %dma_start3A_820 = tpu.memref_slice %arg5[%add3A_791, %dma_start3A_819] : memref<200x128xi32, #tpu.memory_space<vmem>> -> memref<1x128xi32, #tpu.memory_space<vmem>>
      %dma_start3A_821 = tpu.memref_squeeze %dma_start3A_820 : memref<1x128xi32, #tpu.memory_space<vmem>> -> memref<128xi32, #tpu.memory_space<vmem>>
      %dma_start3A_822 = arith.constant 0 : i32
      %dma_start3A_823 = arith.constant 0 : i32
      %dma_start3A_824 = tpu.memref_slice %arg2[%dma_start3A_822, %dma_start3A_823] : memref<1000000x64xf32, #tpu.memory_space<hbm>> -> memref<1000000x64xf32, #tpu.memory_space<hbm>>
      %dma_start3A_825 = tpu.memref_slice %arg7[%dma_start3A_814] : memref<8x!tpu.dma_semaphore, #tpu.memory_space<semaphore_mem>> -> memref<1x!tpu.dma_semaphore, #tpu.memory_space<semaphore_mem>>
      %dma_start3A_826 = tpu.memref_squeeze %dma_start3A_825 : memref<1x!tpu.dma_semaphore, #tpu.memory_space<semaphore_mem>> -> memref<!tpu.dma_semaphore, #tpu.memory_space<semaphore_mem>>
      tpu.enqueue_indirect_dma source(%dma_start3A_824 : memref<1000000x64xf32, #tpu.memory_space<hbm>>) target(%dma_start3A_818 : memref<128x64xf32, #tpu.memory_space<vmem>>) offsets(%dma_start3A_821 : memref<128xi32, #tpu.memory_space<vmem>>) semaphore(%dma_start3A_826 : memref<!tpu.dma_semaphore, #tpu.memory_space<semaphore_mem>>)
      %sub3A_827 = arith.constant 4 : i32
      %sub3A_828 = arith.subi %add3A_791, %sub3A_827 : i32
      %dma_wait3A_829 = arith.constant 7 : i32
      %dma_wait3A_830 = arith.constant 7 : i32
      %dma_wait3A_831 = arith.constant 0 : i32
      %dma_wait3A_832 = arith.constant 0 : i32
      %dma_wait3A_833 = tpu.memref_slice %arg6[%dma_wait3A_829, %dma_wait3A_831, %dma_wait3A_832] : memref<8x128x64xf32, #tpu.memory_space<vmem>> -> memref<1x128x64xf32, #tpu.memory_space<vmem>>
      %dma_wait3A_834 = tpu.memref_squeeze %dma_wait3A_833 : memref<1x128x64xf32, #tpu.memory_space<vmem>> -> memref<128x64xf32, #tpu.memory_space<vmem>>
      %dma_wait3A_835 = arith.constant 0 : i32
      %dma_wait3A_836 = tpu.memref_slice %arg5[%sub3A_828, %dma_wait3A_835] : memref<200x128xi32, #tpu.memory_space<vmem>> -> memref<1x128xi32, #tpu.memory_space<vmem>>
      %dma_wait3A_837 = tpu.memref_squeeze %dma_wait3A_836 : memref<1x128xi32, #tpu.memory_space<vmem>> -> memref<128xi32, #tpu.memory_space<vmem>>
      %dma_wait3A_838 = arith.constant 0 : i32
      %dma_wait3A_839 = arith.constant 0 : i32
      %dma_wait3A_840 = tpu.memref_slice %arg2[%dma_wait3A_838, %dma_wait3A_839] : memref<1000000x64xf32, #tpu.memory_space<hbm>> -> memref<1000000x64xf32, #tpu.memory_space<hbm>>
      %dma_wait3A_841 = tpu.memref_slice %arg7[%dma_wait3A_830] : memref<8x!tpu.dma_semaphore, #tpu.memory_space<semaphore_mem>> -> memref<1x!tpu.dma_semaphore, #tpu.memory_space<semaphore_mem>>
      %dma_wait3A_842 = tpu.memref_squeeze %dma_wait3A_841 : memref<1x!tpu.dma_semaphore, #tpu.memory_space<semaphore_mem>> -> memref<!tpu.dma_semaphore, #tpu.memory_space<semaphore_mem>>
      tpu.wait_indirect_dma semaphore(%dma_wait3A_842 : memref<!tpu.dma_semaphore, #tpu.memory_space<semaphore_mem>>) src(%dma_wait3A_840 : memref<1000000x64xf32, #tpu.memory_space<hbm>>) dst(%dma_wait3A_834 : memref<128x64xf32, #tpu.memory_space<vmem>>)
      %add3A_843 = arith.addi %mul3A_2, %sub3A_828 : i32
      %mul3A_844 = arith.constant 128 : i32
      %mul3A_845 = arith.muli %add3A_843, %mul3A_844 : i32
      %dma_start3A_846 = arith.constant 7 : i32
      %dma_start3A_847 = arith.constant 7 : i32
      %dma_start3A_848 = arith.constant 0 : i32
      %dma_start3A_849 = arith.constant 0 : i32
      %dma_start3A_850 = tpu.memref_slice %arg6[%dma_start3A_846, %dma_start3A_848, %dma_start3A_849] : memref<8x128x64xf32, #tpu.memory_space<vmem>> -> memref<1x128x64xf32, #tpu.memory_space<vmem>>
      %dma_start3A_851 = tpu.memref_squeeze %dma_start3A_850 : memref<1x128x64xf32, #tpu.memory_space<vmem>> -> memref<128x64xf32, #tpu.memory_space<vmem>>
      %dma_start3A_852 = arith.constant 0 : i32
      %dma_start3A_853 = tpu.memref_slice %arg4[%mul3A_845, %dma_start3A_852] : memref<819200x64xf32, #tpu.memory_space<hbm>> -> memref<128x64xf32, #tpu.memory_space<hbm>>
      %dma_start3A_854 = tpu.memref_slice %arg8[%dma_start3A_847] : memref<8x!tpu.dma_semaphore, #tpu.memory_space<semaphore_mem>> -> memref<1x!tpu.dma_semaphore, #tpu.memory_space<semaphore_mem>>
      %dma_start3A_855 = tpu.memref_squeeze %dma_start3A_854 : memref<1x!tpu.dma_semaphore, #tpu.memory_space<semaphore_mem>> -> memref<!tpu.dma_semaphore, #tpu.memory_space<semaphore_mem>>
      %dma_start3A_856 = arith.constant 0 : i32
      %dma_start3A_857 = tpu.memref_slice %arg4[%mul3A_845, %dma_start3A_856] : memref<819200x64xf32, #tpu.memory_space<hbm>> -> memref<128x64xf32, #tpu.memory_space<hbm>>
      %dma_start3A_858 = arith.constant 0 : i32
      %dma_start3A_859 = arith.constant 0 : i32
      %dma_start3A_860 = tpu.memref_slice %arg6[%dma_start3A_846, %dma_start3A_858, %dma_start3A_859] : memref<8x128x64xf32, #tpu.memory_space<vmem>> -> memref<1x128x64xf32, #tpu.memory_space<vmem>>
      %dma_start3A_861 = tpu.memref_squeeze %dma_start3A_860 : memref<1x128x64xf32, #tpu.memory_space<vmem>> -> memref<128x64xf32, #tpu.memory_space<vmem>>
      tpu.enqueue_dma source(%dma_start3A_861 : memref<128x64xf32, #tpu.memory_space<vmem>>) target(%dma_start3A_857 : memref<128x64xf32, #tpu.memory_space<hbm>>) target_semaphore(%dma_start3A_855 : memref<!tpu.dma_semaphore, #tpu.memory_space<semaphore_mem>>)
      %mul3A_862 = arith.constant 8 : i32
      %mul3A_863 = arith.muli %scan3A_566, %mul3A_862 : i32
      %add3A_864 = arith.constant 4 : i32
      %add3A_865 = arith.addi %mul3A_863, %add3A_864 : i32
      %sub3A_866 = arith.constant 8 : i32
      %sub3A_867 = arith.subi %add3A_865, %sub3A_866 : i32
      %add3A_868 = arith.addi %mul3A_2, %sub3A_867 : i32
      %mul3A_869 = arith.constant 128 : i32
      %mul3A_870 = arith.muli %add3A_868, %mul3A_869 : i32
      %dma_wait3A_871 = arith.constant 4 : i32
      %dma_wait3A_872 = arith.constant 4 : i32
      %dma_wait3A_873 = arith.constant 0 : i32
      %dma_wait3A_874 = arith.constant 0 : i32
      %dma_wait3A_875 = tpu.memref_slice %arg6[%dma_wait3A_871, %dma_wait3A_873, %dma_wait3A_874] : memref<8x128x64xf32, #tpu.memory_space<vmem>> -> memref<1x128x64xf32, #tpu.memory_space<vmem>>
      %dma_wait3A_876 = tpu.memref_squeeze %dma_wait3A_875 : memref<1x128x64xf32, #tpu.memory_space<vmem>> -> memref<128x64xf32, #tpu.memory_space<vmem>>
      %dma_wait3A_877 = arith.constant 0 : i32
      %dma_wait3A_878 = tpu.memref_slice %arg4[%mul3A_870, %dma_wait3A_877] : memref<819200x64xf32, #tpu.memory_space<hbm>> -> memref<128x64xf32, #tpu.memory_space<hbm>>
      %dma_wait3A_879 = tpu.memref_slice %arg8[%dma_wait3A_872] : memref<8x!tpu.dma_semaphore, #tpu.memory_space<semaphore_mem>> -> memref<1x!tpu.dma_semaphore, #tpu.memory_space<semaphore_mem>>
      %dma_wait3A_880 = tpu.memref_squeeze %dma_wait3A_879 : memref<1x!tpu.dma_semaphore, #tpu.memory_space<semaphore_mem>> -> memref<!tpu.dma_semaphore, #tpu.memory_space<semaphore_mem>>
      %dma_wait3A_881 = arith.constant 0 : i32
      %dma_wait3A_882 = tpu.memref_slice %arg4[%mul3A_870, %dma_wait3A_881] : memref<819200x64xf32, #tpu.memory_space<hbm>> -> memref<128x64xf32, #tpu.memory_space<hbm>>
      %dma_wait3A_883 = arith.constant 0 : i32
      %dma_wait3A_884 = arith.constant 0 : i32
      %dma_wait3A_885 = tpu.memref_slice %arg6[%dma_wait3A_871, %dma_wait3A_883, %dma_wait3A_884] : memref<8x128x64xf32, #tpu.memory_space<vmem>> -> memref<1x128x64xf32, #tpu.memory_space<vmem>>
      %dma_wait3A_886 = tpu.memref_squeeze %dma_wait3A_885 : memref<1x128x64xf32, #tpu.memory_space<vmem>> -> memref<128x64xf32, #tpu.memory_space<vmem>>
      tpu.wait_dma2 semaphore(%dma_wait3A_880 : memref<!tpu.dma_semaphore, #tpu.memory_space<semaphore_mem>>) src(%dma_wait3A_886 : memref<128x64xf32, #tpu.memory_space<vmem>>) dst(%dma_wait3A_882 : memref<128x64xf32, #tpu.memory_space<hbm>>)
      %dma_start3A_887 = arith.constant 4 : i32
      %dma_start3A_888 = arith.constant 4 : i32
      %dma_start3A_889 = arith.constant 0 : i32
      %dma_start3A_890 = arith.constant 0 : i32
      %dma_start3A_891 = tpu.memref_slice %arg6[%dma_start3A_887, %dma_start3A_889, %dma_start3A_890] : memref<8x128x64xf32, #tpu.memory_space<vmem>> -> memref<1x128x64xf32, #tpu.memory_space<vmem>>
      %dma_start3A_892 = tpu.memref_squeeze %dma_start3A_891 : memref<1x128x64xf32, #tpu.memory_space<vmem>> -> memref<128x64xf32, #tpu.memory_space<vmem>>
      %dma_start3A_893 = arith.constant 0 : i32
      %dma_start3A_894 = tpu.memref_slice %arg5[%add3A_865, %dma_start3A_893] : memref<200x128xi32, #tpu.memory_space<vmem>> -> memref<1x128xi32, #tpu.memory_space<vmem>>
      %dma_start3A_895 = tpu.memref_squeeze %dma_start3A_894 : memref<1x128xi32, #tpu.memory_space<vmem>> -> memref<128xi32, #tpu.memory_space<vmem>>
      %dma_start3A_896 = arith.constant 0 : i32
      %dma_start3A_897 = arith.constant 0 : i32
      %dma_start3A_898 = tpu.memref_slice %arg2[%dma_start3A_896, %dma_start3A_897] : memref<1000000x64xf32, #tpu.memory_space<hbm>> -> memref<1000000x64xf32, #tpu.memory_space<hbm>>
      %dma_start3A_899 = tpu.memref_slice %arg7[%dma_start3A_888] : memref<8x!tpu.dma_semaphore, #tpu.memory_space<semaphore_mem>> -> memref<1x!tpu.dma_semaphore, #tpu.memory_space<semaphore_mem>>
      %dma_start3A_900 = tpu.memref_squeeze %dma_start3A_899 : memref<1x!tpu.dma_semaphore, #tpu.memory_space<semaphore_mem>> -> memref<!tpu.dma_semaphore, #tpu.memory_space<semaphore_mem>>
      tpu.enqueue_indirect_dma source(%dma_start3A_898 : memref<1000000x64xf32, #tpu.memory_space<hbm>>) target(%dma_start3A_892 : memref<128x64xf32, #tpu.memory_space<vmem>>) offsets(%dma_start3A_895 : memref<128xi32, #tpu.memory_space<vmem>>) semaphore(%dma_start3A_900 : memref<!tpu.dma_semaphore, #tpu.memory_space<semaphore_mem>>)
      %sub3A_901 = arith.constant 4 : i32
      %sub3A_902 = arith.subi %add3A_865, %sub3A_901 : i32
      %dma_wait3A_903 = arith.constant 0 : i32
      %dma_wait3A_904 = arith.constant 0 : i32
      %dma_wait3A_905 = arith.constant 0 : i32
      %dma_wait3A_906 = arith.constant 0 : i32
      %dma_wait3A_907 = tpu.memref_slice %arg6[%dma_wait3A_903, %dma_wait3A_905, %dma_wait3A_906] : memref<8x128x64xf32, #tpu.memory_space<vmem>> -> memref<1x128x64xf32, #tpu.memory_space<vmem>>
      %dma_wait3A_908 = tpu.memref_squeeze %dma_wait3A_907 : memref<1x128x64xf32, #tpu.memory_space<vmem>> -> memref<128x64xf32, #tpu.memory_space<vmem>>
      %dma_wait3A_909 = arith.constant 0 : i32
      %dma_wait3A_910 = tpu.memref_slice %arg5[%sub3A_902, %dma_wait3A_909] : memref<200x128xi32, #tpu.memory_space<vmem>> -> memref<1x128xi32, #tpu.memory_space<vmem>>
      %dma_wait3A_911 = tpu.memref_squeeze %dma_wait3A_910 : memref<1x128xi32, #tpu.memory_space<vmem>> -> memref<128xi32, #tpu.memory_space<vmem>>
      %dma_wait3A_912 = arith.constant 0 : i32
      %dma_wait3A_913 = arith.constant 0 : i32
      %dma_wait3A_914 = tpu.memref_slice %arg2[%dma_wait3A_912, %dma_wait3A_913] : memref<1000000x64xf32, #tpu.memory_space<hbm>> -> memref<1000000x64xf32, #tpu.memory_space<hbm>>
      %dma_wait3A_915 = tpu.memref_slice %arg7[%dma_wait3A_904] : memref<8x!tpu.dma_semaphore, #tpu.memory_space<semaphore_mem>> -> memref<1x!tpu.dma_semaphore, #tpu.memory_space<semaphore_mem>>
      %dma_wait3A_916 = tpu.memref_squeeze %dma_wait3A_915 : memref<1x!tpu.dma_semaphore, #tpu.memory_space<semaphore_mem>> -> memref<!tpu.dma_semaphore, #tpu.memory_space<semaphore_mem>>
      tpu.wait_indirect_dma semaphore(%dma_wait3A_916 : memref<!tpu.dma_semaphore, #tpu.memory_space<semaphore_mem>>) src(%dma_wait3A_914 : memref<1000000x64xf32, #tpu.memory_space<hbm>>) dst(%dma_wait3A_908 : memref<128x64xf32, #tpu.memory_space<vmem>>)
      %add3A_917 = arith.addi %mul3A_2, %sub3A_902 : i32
      %mul3A_918 = arith.constant 128 : i32
      %mul3A_919 = arith.muli %add3A_917, %mul3A_918 : i32
      %dma_start3A_920 = arith.constant 0 : i32
      %dma_start3A_921 = arith.constant 0 : i32
      %dma_start3A_922 = arith.constant 0 : i32
      %dma_start3A_923 = arith.constant 0 : i32
      %dma_start3A_924 = tpu.memref_slice %arg6[%dma_start3A_920, %dma_start3A_922, %dma_start3A_923] : memref<8x128x64xf32, #tpu.memory_space<vmem>> -> memref<1x128x64xf32, #tpu.memory_space<vmem>>
      %dma_start3A_925 = tpu.memref_squeeze %dma_start3A_924 : memref<1x128x64xf32, #tpu.memory_space<vmem>> -> memref<128x64xf32, #tpu.memory_space<vmem>>
      %dma_start3A_926 = arith.constant 0 : i32
      %dma_start3A_927 = tpu.memref_slice %arg4[%mul3A_919, %dma_start3A_926] : memref<819200x64xf32, #tpu.memory_space<hbm>> -> memref<128x64xf32, #tpu.memory_space<hbm>>
      %dma_start3A_928 = tpu.memref_slice %arg8[%dma_start3A_921] : memref<8x!tpu.dma_semaphore, #tpu.memory_space<semaphore_mem>> -> memref<1x!tpu.dma_semaphore, #tpu.memory_space<semaphore_mem>>
      %dma_start3A_929 = tpu.memref_squeeze %dma_start3A_928 : memref<1x!tpu.dma_semaphore, #tpu.memory_space<semaphore_mem>> -> memref<!tpu.dma_semaphore, #tpu.memory_space<semaphore_mem>>
      %dma_start3A_930 = arith.constant 0 : i32
      %dma_start3A_931 = tpu.memref_slice %arg4[%mul3A_919, %dma_start3A_930] : memref<819200x64xf32, #tpu.memory_space<hbm>> -> memref<128x64xf32, #tpu.memory_space<hbm>>
      %dma_start3A_932 = arith.constant 0 : i32
      %dma_start3A_933 = arith.constant 0 : i32
      %dma_start3A_934 = tpu.memref_slice %arg6[%dma_start3A_920, %dma_start3A_932, %dma_start3A_933] : memref<8x128x64xf32, #tpu.memory_space<vmem>> -> memref<1x128x64xf32, #tpu.memory_space<vmem>>
      %dma_start3A_935 = tpu.memref_squeeze %dma_start3A_934 : memref<1x128x64xf32, #tpu.memory_space<vmem>> -> memref<128x64xf32, #tpu.memory_space<vmem>>
      tpu.enqueue_dma source(%dma_start3A_935 : memref<128x64xf32, #tpu.memory_space<vmem>>) target(%dma_start3A_931 : memref<128x64xf32, #tpu.memory_space<hbm>>) target_semaphore(%dma_start3A_929 : memref<!tpu.dma_semaphore, #tpu.memory_space<semaphore_mem>>)
      %mul3A_936 = arith.constant 8 : i32
      %mul3A_937 = arith.muli %scan3A_566, %mul3A_936 : i32
      %add3A_938 = arith.constant 5 : i32
      %add3A_939 = arith.addi %mul3A_937, %add3A_938 : i32
      %sub3A_940 = arith.constant 8 : i32
      %sub3A_941 = arith.subi %add3A_939, %sub3A_940 : i32
      %add3A_942 = arith.addi %mul3A_2, %sub3A_941 : i32
      %mul3A_943 = arith.constant 128 : i32
      %mul3A_944 = arith.muli %add3A_942, %mul3A_943 : i32
      %dma_wait3A_945 = arith.constant 5 : i32
      %dma_wait3A_946 = arith.constant 5 : i32
      %dma_wait3A_947 = arith.constant 0 : i32
      %dma_wait3A_948 = arith.constant 0 : i32
      %dma_wait3A_949 = tpu.memref_slice %arg6[%dma_wait3A_945, %dma_wait3A_947, %dma_wait3A_948] : memref<8x128x64xf32, #tpu.memory_space<vmem>> -> memref<1x128x64xf32, #tpu.memory_space<vmem>>
      %dma_wait3A_950 = tpu.memref_squeeze %dma_wait3A_949 : memref<1x128x64xf32, #tpu.memory_space<vmem>> -> memref<128x64xf32, #tpu.memory_space<vmem>>
      %dma_wait3A_951 = arith.constant 0 : i32
      %dma_wait3A_952 = tpu.memref_slice %arg4[%mul3A_944, %dma_wait3A_951] : memref<819200x64xf32, #tpu.memory_space<hbm>> -> memref<128x64xf32, #tpu.memory_space<hbm>>
      %dma_wait3A_953 = tpu.memref_slice %arg8[%dma_wait3A_946] : memref<8x!tpu.dma_semaphore, #tpu.memory_space<semaphore_mem>> -> memref<1x!tpu.dma_semaphore, #tpu.memory_space<semaphore_mem>>
      %dma_wait3A_954 = tpu.memref_squeeze %dma_wait3A_953 : memref<1x!tpu.dma_semaphore, #tpu.memory_space<semaphore_mem>> -> memref<!tpu.dma_semaphore, #tpu.memory_space<semaphore_mem>>
      %dma_wait3A_955 = arith.constant 0 : i32
      %dma_wait3A_956 = tpu.memref_slice %arg4[%mul3A_944, %dma_wait3A_955] : memref<819200x64xf32, #tpu.memory_space<hbm>> -> memref<128x64xf32, #tpu.memory_space<hbm>>
      %dma_wait3A_957 = arith.constant 0 : i32
      %dma_wait3A_958 = arith.constant 0 : i32
      %dma_wait3A_959 = tpu.memref_slice %arg6[%dma_wait3A_945, %dma_wait3A_957, %dma_wait3A_958] : memref<8x128x64xf32, #tpu.memory_space<vmem>> -> memref<1x128x64xf32, #tpu.memory_space<vmem>>
      %dma_wait3A_960 = tpu.memref_squeeze %dma_wait3A_959 : memref<1x128x64xf32, #tpu.memory_space<vmem>> -> memref<128x64xf32, #tpu.memory_space<vmem>>
      tpu.wait_dma2 semaphore(%dma_wait3A_954 : memref<!tpu.dma_semaphore, #tpu.memory_space<semaphore_mem>>) src(%dma_wait3A_960 : memref<128x64xf32, #tpu.memory_space<vmem>>) dst(%dma_wait3A_956 : memref<128x64xf32, #tpu.memory_space<hbm>>)
      %dma_start3A_961 = arith.constant 5 : i32
      %dma_start3A_962 = arith.constant 5 : i32
      %dma_start3A_963 = arith.constant 0 : i32
      %dma_start3A_964 = arith.constant 0 : i32
      %dma_start3A_965 = tpu.memref_slice %arg6[%dma_start3A_961, %dma_start3A_963, %dma_start3A_964] : memref<8x128x64xf32, #tpu.memory_space<vmem>> -> memref<1x128x64xf32, #tpu.memory_space<vmem>>
      %dma_start3A_966 = tpu.memref_squeeze %dma_start3A_965 : memref<1x128x64xf32, #tpu.memory_space<vmem>> -> memref<128x64xf32, #tpu.memory_space<vmem>>
      %dma_start3A_967 = arith.constant 0 : i32
      %dma_start3A_968 = tpu.memref_slice %arg5[%add3A_939, %dma_start3A_967] : memref<200x128xi32, #tpu.memory_space<vmem>> -> memref<1x128xi32, #tpu.memory_space<vmem>>
      %dma_start3A_969 = tpu.memref_squeeze %dma_start3A_968 : memref<1x128xi32, #tpu.memory_space<vmem>> -> memref<128xi32, #tpu.memory_space<vmem>>
      %dma_start3A_970 = arith.constant 0 : i32
      %dma_start3A_971 = arith.constant 0 : i32
      %dma_start3A_972 = tpu.memref_slice %arg2[%dma_start3A_970, %dma_start3A_971] : memref<1000000x64xf32, #tpu.memory_space<hbm>> -> memref<1000000x64xf32, #tpu.memory_space<hbm>>
      %dma_start3A_973 = tpu.memref_slice %arg7[%dma_start3A_962] : memref<8x!tpu.dma_semaphore, #tpu.memory_space<semaphore_mem>> -> memref<1x!tpu.dma_semaphore, #tpu.memory_space<semaphore_mem>>
      %dma_start3A_974 = tpu.memref_squeeze %dma_start3A_973 : memref<1x!tpu.dma_semaphore, #tpu.memory_space<semaphore_mem>> -> memref<!tpu.dma_semaphore, #tpu.memory_space<semaphore_mem>>
      tpu.enqueue_indirect_dma source(%dma_start3A_972 : memref<1000000x64xf32, #tpu.memory_space<hbm>>) target(%dma_start3A_966 : memref<128x64xf32, #tpu.memory_space<vmem>>) offsets(%dma_start3A_969 : memref<128xi32, #tpu.memory_space<vmem>>) semaphore(%dma_start3A_974 : memref<!tpu.dma_semaphore, #tpu.memory_space<semaphore_mem>>)
      %sub3A_975 = arith.constant 4 : i32
      %sub3A_976 = arith.subi %add3A_939, %sub3A_975 : i32
      %dma_wait3A_977 = arith.constant 1 : i32
      %dma_wait3A_978 = arith.constant 1 : i32
      %dma_wait3A_979 = arith.constant 0 : i32
      %dma_wait3A_980 = arith.constant 0 : i32
      %dma_wait3A_981 = tpu.memref_slice %arg6[%dma_wait3A_977, %dma_wait3A_979, %dma_wait3A_980] : memref<8x128x64xf32, #tpu.memory_space<vmem>> -> memref<1x128x64xf32, #tpu.memory_space<vmem>>
      %dma_wait3A_982 = tpu.memref_squeeze %dma_wait3A_981 : memref<1x128x64xf32, #tpu.memory_space<vmem>> -> memref<128x64xf32, #tpu.memory_space<vmem>>
      %dma_wait3A_983 = arith.constant 0 : i32
      %dma_wait3A_984 = tpu.memref_slice %arg5[%sub3A_976, %dma_wait3A_983] : memref<200x128xi32, #tpu.memory_space<vmem>> -> memref<1x128xi32, #tpu.memory_space<vmem>>
      %dma_wait3A_985 = tpu.memref_squeeze %dma_wait3A_984 : memref<1x128xi32, #tpu.memory_space<vmem>> -> memref<128xi32, #tpu.memory_space<vmem>>
      %dma_wait3A_986 = arith.constant 0 : i32
      %dma_wait3A_987 = arith.constant 0 : i32
      %dma_wait3A_988 = tpu.memref_slice %arg2[%dma_wait3A_986, %dma_wait3A_987] : memref<1000000x64xf32, #tpu.memory_space<hbm>> -> memref<1000000x64xf32, #tpu.memory_space<hbm>>
      %dma_wait3A_989 = tpu.memref_slice %arg7[%dma_wait3A_978] : memref<8x!tpu.dma_semaphore, #tpu.memory_space<semaphore_mem>> -> memref<1x!tpu.dma_semaphore, #tpu.memory_space<semaphore_mem>>
      %dma_wait3A_990 = tpu.memref_squeeze %dma_wait3A_989 : memref<1x!tpu.dma_semaphore, #tpu.memory_space<semaphore_mem>> -> memref<!tpu.dma_semaphore, #tpu.memory_space<semaphore_mem>>
      tpu.wait_indirect_dma semaphore(%dma_wait3A_990 : memref<!tpu.dma_semaphore, #tpu.memory_space<semaphore_mem>>) src(%dma_wait3A_988 : memref<1000000x64xf32, #tpu.memory_space<hbm>>) dst(%dma_wait3A_982 : memref<128x64xf32, #tpu.memory_space<vmem>>)
      %add3A_991 = arith.addi %mul3A_2, %sub3A_976 : i32
      %mul3A_992 = arith.constant 128 : i32
      %mul3A_993 = arith.muli %add3A_991, %mul3A_992 : i32
      %dma_start3A_994 = arith.constant 1 : i32
      %dma_start3A_995 = arith.constant 1 : i32
      %dma_start3A_996 = arith.constant 0 : i32
      %dma_start3A_997 = arith.constant 0 : i32
      %dma_start3A_998 = tpu.memref_slice %arg6[%dma_start3A_994, %dma_start3A_996, %dma_start3A_997] : memref<8x128x64xf32, #tpu.memory_space<vmem>> -> memref<1x128x64xf32, #tpu.memory_space<vmem>>
      %dma_start3A_999 = tpu.memref_squeeze %dma_start3A_998 : memref<1x128x64xf32, #tpu.memory_space<vmem>> -> memref<128x64xf32, #tpu.memory_space<vmem>>
      %dma_start3A_1000 = arith.constant 0 : i32
      %dma_start3A_1001 = tpu.memref_slice %arg4[%mul3A_993, %dma_start3A_1000] : memref<819200x64xf32, #tpu.memory_space<hbm>> -> memref<128x64xf32, #tpu.memory_space<hbm>>
      %dma_start3A_1002 = tpu.memref_slice %arg8[%dma_start3A_995] : memref<8x!tpu.dma_semaphore, #tpu.memory_space<semaphore_mem>> -> memref<1x!tpu.dma_semaphore, #tpu.memory_space<semaphore_mem>>
      %dma_start3A_1003 = tpu.memref_squeeze %dma_start3A_1002 : memref<1x!tpu.dma_semaphore, #tpu.memory_space<semaphore_mem>> -> memref<!tpu.dma_semaphore, #tpu.memory_space<semaphore_mem>>
      %dma_start3A_1004 = arith.constant 0 : i32
      %dma_start3A_1005 = tpu.memref_slice %arg4[%mul3A_993, %dma_start3A_1004] : memref<819200x64xf32, #tpu.memory_space<hbm>> -> memref<128x64xf32, #tpu.memory_space<hbm>>
      %dma_start3A_1006 = arith.constant 0 : i32
      %dma_start3A_1007 = arith.constant 0 : i32
      %dma_start3A_1008 = tpu.memref_slice %arg6[%dma_start3A_994, %dma_start3A_1006, %dma_start3A_1007] : memref<8x128x64xf32, #tpu.memory_space<vmem>> -> memref<1x128x64xf32, #tpu.memory_space<vmem>>
      %dma_start3A_1009 = tpu.memref_squeeze %dma_start3A_1008 : memref<1x128x64xf32, #tpu.memory_space<vmem>> -> memref<128x64xf32, #tpu.memory_space<vmem>>
      tpu.enqueue_dma source(%dma_start3A_1009 : memref<128x64xf32, #tpu.memory_space<vmem>>) target(%dma_start3A_1005 : memref<128x64xf32, #tpu.memory_space<hbm>>) target_semaphore(%dma_start3A_1003 : memref<!tpu.dma_semaphore, #tpu.memory_space<semaphore_mem>>)
      %mul3A_1010 = arith.constant 8 : i32
      %mul3A_1011 = arith.muli %scan3A_566, %mul3A_1010 : i32
      %add3A_1012 = arith.constant 6 : i32
      %add3A_1013 = arith.addi %mul3A_1011, %add3A_1012 : i32
      %sub3A_1014 = arith.constant 8 : i32
      %sub3A_1015 = arith.subi %add3A_1013, %sub3A_1014 : i32
      %add3A_1016 = arith.addi %mul3A_2, %sub3A_1015 : i32
      %mul3A_1017 = arith.constant 128 : i32
      %mul3A_1018 = arith.muli %add3A_1016, %mul3A_1017 : i32
      %dma_wait3A_1019 = arith.constant 6 : i32
      %dma_wait3A_1020 = arith.constant 6 : i32
      %dma_wait3A_1021 = arith.constant 0 : i32
      %dma_wait3A_1022 = arith.constant 0 : i32
      %dma_wait3A_1023 = tpu.memref_slice %arg6[%dma_wait3A_1019, %dma_wait3A_1021, %dma_wait3A_1022] : memref<8x128x64xf32, #tpu.memory_space<vmem>> -> memref<1x128x64xf32, #tpu.memory_space<vmem>>
      %dma_wait3A_1024 = tpu.memref_squeeze %dma_wait3A_1023 : memref<1x128x64xf32, #tpu.memory_space<vmem>> -> memref<128x64xf32, #tpu.memory_space<vmem>>
      %dma_wait3A_1025 = arith.constant 0 : i32
      %dma_wait3A_1026 = tpu.memref_slice %arg4[%mul3A_1018, %dma_wait3A_1025] : memref<819200x64xf32, #tpu.memory_space<hbm>> -> memref<128x64xf32, #tpu.memory_space<hbm>>
      %dma_wait3A_1027 = tpu.memref_slice %arg8[%dma_wait3A_1020] : memref<8x!tpu.dma_semaphore, #tpu.memory_space<semaphore_mem>> -> memref<1x!tpu.dma_semaphore, #tpu.memory_space<semaphore_mem>>
      %dma_wait3A_1028 = tpu.memref_squeeze %dma_wait3A_1027 : memref<1x!tpu.dma_semaphore, #tpu.memory_space<semaphore_mem>> -> memref<!tpu.dma_semaphore, #tpu.memory_space<semaphore_mem>>
      %dma_wait3A_1029 = arith.constant 0 : i32
      %dma_wait3A_1030 = tpu.memref_slice %arg4[%mul3A_1018, %dma_wait3A_1029] : memref<819200x64xf32, #tpu.memory_space<hbm>> -> memref<128x64xf32, #tpu.memory_space<hbm>>
      %dma_wait3A_1031 = arith.constant 0 : i32
      %dma_wait3A_1032 = arith.constant 0 : i32
      %dma_wait3A_1033 = tpu.memref_slice %arg6[%dma_wait3A_1019, %dma_wait3A_1031, %dma_wait3A_1032] : memref<8x128x64xf32, #tpu.memory_space<vmem>> -> memref<1x128x64xf32, #tpu.memory_space<vmem>>
      %dma_wait3A_1034 = tpu.memref_squeeze %dma_wait3A_1033 : memref<1x128x64xf32, #tpu.memory_space<vmem>> -> memref<128x64xf32, #tpu.memory_space<vmem>>
      tpu.wait_dma2 semaphore(%dma_wait3A_1028 : memref<!tpu.dma_semaphore, #tpu.memory_space<semaphore_mem>>) src(%dma_wait3A_1034 : memref<128x64xf32, #tpu.memory_space<vmem>>) dst(%dma_wait3A_1030 : memref<128x64xf32, #tpu.memory_space<hbm>>)
      %dma_start3A_1035 = arith.constant 6 : i32
      %dma_start3A_1036 = arith.constant 6 : i32
      %dma_start3A_1037 = arith.constant 0 : i32
      %dma_start3A_1038 = arith.constant 0 : i32
      %dma_start3A_1039 = tpu.memref_slice %arg6[%dma_start3A_1035, %dma_start3A_1037, %dma_start3A_1038] : memref<8x128x64xf32, #tpu.memory_space<vmem>> -> memref<1x128x64xf32, #tpu.memory_space<vmem>>
      %dma_start3A_1040 = tpu.memref_squeeze %dma_start3A_1039 : memref<1x128x64xf32, #tpu.memory_space<vmem>> -> memref<128x64xf32, #tpu.memory_space<vmem>>
      %dma_start3A_1041 = arith.constant 0 : i32
      %dma_start3A_1042 = tpu.memref_slice %arg5[%add3A_1013, %dma_start3A_1041] : memref<200x128xi32, #tpu.memory_space<vmem>> -> memref<1x128xi32, #tpu.memory_space<vmem>>
      %dma_start3A_1043 = tpu.memref_squeeze %dma_start3A_1042 : memref<1x128xi32, #tpu.memory_space<vmem>> -> memref<128xi32, #tpu.memory_space<vmem>>
      %dma_start3A_1044 = arith.constant 0 : i32
      %dma_start3A_1045 = arith.constant 0 : i32
      %dma_start3A_1046 = tpu.memref_slice %arg2[%dma_start3A_1044, %dma_start3A_1045] : memref<1000000x64xf32, #tpu.memory_space<hbm>> -> memref<1000000x64xf32, #tpu.memory_space<hbm>>
      %dma_start3A_1047 = tpu.memref_slice %arg7[%dma_start3A_1036] : memref<8x!tpu.dma_semaphore, #tpu.memory_space<semaphore_mem>> -> memref<1x!tpu.dma_semaphore, #tpu.memory_space<semaphore_mem>>
      %dma_start3A_1048 = tpu.memref_squeeze %dma_start3A_1047 : memref<1x!tpu.dma_semaphore, #tpu.memory_space<semaphore_mem>> -> memref<!tpu.dma_semaphore, #tpu.memory_space<semaphore_mem>>
      tpu.enqueue_indirect_dma source(%dma_start3A_1046 : memref<1000000x64xf32, #tpu.memory_space<hbm>>) target(%dma_start3A_1040 : memref<128x64xf32, #tpu.memory_space<vmem>>) offsets(%dma_start3A_1043 : memref<128xi32, #tpu.memory_space<vmem>>) semaphore(%dma_start3A_1048 : memref<!tpu.dma_semaphore, #tpu.memory_space<semaphore_mem>>)
      %sub3A_1049 = arith.constant 4 : i32
      %sub3A_1050 = arith.subi %add3A_1013, %sub3A_1049 : i32
      %dma_wait3A_1051 = arith.constant 2 : i32
      %dma_wait3A_1052 = arith.constant 2 : i32
      %dma_wait3A_1053 = arith.constant 0 : i32
      %dma_wait3A_1054 = arith.constant 0 : i32
      %dma_wait3A_1055 = tpu.memref_slice %arg6[%dma_wait3A_1051, %dma_wait3A_1053, %dma_wait3A_1054] : memref<8x128x64xf32, #tpu.memory_space<vmem>> -> memref<1x128x64xf32, #tpu.memory_space<vmem>>
      %dma_wait3A_1056 = tpu.memref_squeeze %dma_wait3A_1055 : memref<1x128x64xf32, #tpu.memory_space<vmem>> -> memref<128x64xf32, #tpu.memory_space<vmem>>
      %dma_wait3A_1057 = arith.constant 0 : i32
      %dma_wait3A_1058 = tpu.memref_slice %arg5[%sub3A_1050, %dma_wait3A_1057] : memref<200x128xi32, #tpu.memory_space<vmem>> -> memref<1x128xi32, #tpu.memory_space<vmem>>
      %dma_wait3A_1059 = tpu.memref_squeeze %dma_wait3A_1058 : memref<1x128xi32, #tpu.memory_space<vmem>> -> memref<128xi32, #tpu.memory_space<vmem>>
      %dma_wait3A_1060 = arith.constant 0 : i32
      %dma_wait3A_1061 = arith.constant 0 : i32
      %dma_wait3A_1062 = tpu.memref_slice %arg2[%dma_wait3A_1060, %dma_wait3A_1061] : memref<1000000x64xf32, #tpu.memory_space<hbm>> -> memref<1000000x64xf32, #tpu.memory_space<hbm>>
      %dma_wait3A_1063 = tpu.memref_slice %arg7[%dma_wait3A_1052] : memref<8x!tpu.dma_semaphore, #tpu.memory_space<semaphore_mem>> -> memref<1x!tpu.dma_semaphore, #tpu.memory_space<semaphore_mem>>
      %dma_wait3A_1064 = tpu.memref_squeeze %dma_wait3A_1063 : memref<1x!tpu.dma_semaphore, #tpu.memory_space<semaphore_mem>> -> memref<!tpu.dma_semaphore, #tpu.memory_space<semaphore_mem>>
      tpu.wait_indirect_dma semaphore(%dma_wait3A_1064 : memref<!tpu.dma_semaphore, #tpu.memory_space<semaphore_mem>>) src(%dma_wait3A_1062 : memref<1000000x64xf32, #tpu.memory_space<hbm>>) dst(%dma_wait3A_1056 : memref<128x64xf32, #tpu.memory_space<vmem>>)
      %add3A_1065 = arith.addi %mul3A_2, %sub3A_1050 : i32
      %mul3A_1066 = arith.constant 128 : i32
      %mul3A_1067 = arith.muli %add3A_1065, %mul3A_1066 : i32
      %dma_start3A_1068 = arith.constant 2 : i32
      %dma_start3A_1069 = arith.constant 2 : i32
      %dma_start3A_1070 = arith.constant 0 : i32
      %dma_start3A_1071 = arith.constant 0 : i32
      %dma_start3A_1072 = tpu.memref_slice %arg6[%dma_start3A_1068, %dma_start3A_1070, %dma_start3A_1071] : memref<8x128x64xf32, #tpu.memory_space<vmem>> -> memref<1x128x64xf32, #tpu.memory_space<vmem>>
      %dma_start3A_1073 = tpu.memref_squeeze %dma_start3A_1072 : memref<1x128x64xf32, #tpu.memory_space<vmem>> -> memref<128x64xf32, #tpu.memory_space<vmem>>
      %dma_start3A_1074 = arith.constant 0 : i32
      %dma_start3A_1075 = tpu.memref_slice %arg4[%mul3A_1067, %dma_start3A_1074] : memref<819200x64xf32, #tpu.memory_space<hbm>> -> memref<128x64xf32, #tpu.memory_space<hbm>>
      %dma_start3A_1076 = tpu.memref_slice %arg8[%dma_start3A_1069] : memref<8x!tpu.dma_semaphore, #tpu.memory_space<semaphore_mem>> -> memref<1x!tpu.dma_semaphore, #tpu.memory_space<semaphore_mem>>
      %dma_start3A_1077 = tpu.memref_squeeze %dma_start3A_1076 : memref<1x!tpu.dma_semaphore, #tpu.memory_space<semaphore_mem>> -> memref<!tpu.dma_semaphore, #tpu.memory_space<semaphore_mem>>
      %dma_start3A_1078 = arith.constant 0 : i32
      %dma_start3A_1079 = tpu.memref_slice %arg4[%mul3A_1067, %dma_start3A_1078] : memref<819200x64xf32, #tpu.memory_space<hbm>> -> memref<128x64xf32, #tpu.memory_space<hbm>>
      %dma_start3A_1080 = arith.constant 0 : i32
      %dma_start3A_1081 = arith.constant 0 : i32
      %dma_start3A_1082 = tpu.memref_slice %arg6[%dma_start3A_1068, %dma_start3A_1080, %dma_start3A_1081] : memref<8x128x64xf32, #tpu.memory_space<vmem>> -> memref<1x128x64xf32, #tpu.memory_space<vmem>>
      %dma_start3A_1083 = tpu.memref_squeeze %dma_start3A_1082 : memref<1x128x64xf32, #tpu.memory_space<vmem>> -> memref<128x64xf32, #tpu.memory_space<vmem>>
      tpu.enqueue_dma source(%dma_start3A_1083 : memref<128x64xf32, #tpu.memory_space<vmem>>) target(%dma_start3A_1079 : memref<128x64xf32, #tpu.memory_space<hbm>>) target_semaphore(%dma_start3A_1077 : memref<!tpu.dma_semaphore, #tpu.memory_space<semaphore_mem>>)
      %mul3A_1084 = arith.constant 8 : i32
      %mul3A_1085 = arith.muli %scan3A_566, %mul3A_1084 : i32
      %add3A_1086 = arith.constant 7 : i32
      %add3A_1087 = arith.addi %mul3A_1085, %add3A_1086 : i32
      %sub3A_1088 = arith.constant 8 : i32
      %sub3A_1089 = arith.subi %add3A_1087, %sub3A_1088 : i32
      %add3A_1090 = arith.addi %mul3A_2, %sub3A_1089 : i32
      %mul3A_1091 = arith.constant 128 : i32
      %mul3A_1092 = arith.muli %add3A_1090, %mul3A_1091 : i32
      %dma_wait3A_1093 = arith.constant 7 : i32
      %dma_wait3A_1094 = arith.constant 7 : i32
      %dma_wait3A_1095 = arith.constant 0 : i32
      %dma_wait3A_1096 = arith.constant 0 : i32
      %dma_wait3A_1097 = tpu.memref_slice %arg6[%dma_wait3A_1093, %dma_wait3A_1095, %dma_wait3A_1096] : memref<8x128x64xf32, #tpu.memory_space<vmem>> -> memref<1x128x64xf32, #tpu.memory_space<vmem>>
      %dma_wait3A_1098 = tpu.memref_squeeze %dma_wait3A_1097 : memref<1x128x64xf32, #tpu.memory_space<vmem>> -> memref<128x64xf32, #tpu.memory_space<vmem>>
      %dma_wait3A_1099 = arith.constant 0 : i32
      %dma_wait3A_1100 = tpu.memref_slice %arg4[%mul3A_1092, %dma_wait3A_1099] : memref<819200x64xf32, #tpu.memory_space<hbm>> -> memref<128x64xf32, #tpu.memory_space<hbm>>
      %dma_wait3A_1101 = tpu.memref_slice %arg8[%dma_wait3A_1094] : memref<8x!tpu.dma_semaphore, #tpu.memory_space<semaphore_mem>> -> memref<1x!tpu.dma_semaphore, #tpu.memory_space<semaphore_mem>>
      %dma_wait3A_1102 = tpu.memref_squeeze %dma_wait3A_1101 : memref<1x!tpu.dma_semaphore, #tpu.memory_space<semaphore_mem>> -> memref<!tpu.dma_semaphore, #tpu.memory_space<semaphore_mem>>
      %dma_wait3A_1103 = arith.constant 0 : i32
      %dma_wait3A_1104 = tpu.memref_slice %arg4[%mul3A_1092, %dma_wait3A_1103] : memref<819200x64xf32, #tpu.memory_space<hbm>> -> memref<128x64xf32, #tpu.memory_space<hbm>>
      %dma_wait3A_1105 = arith.constant 0 : i32
      %dma_wait3A_1106 = arith.constant 0 : i32
      %dma_wait3A_1107 = tpu.memref_slice %arg6[%dma_wait3A_1093, %dma_wait3A_1105, %dma_wait3A_1106] : memref<8x128x64xf32, #tpu.memory_space<vmem>> -> memref<1x128x64xf32, #tpu.memory_space<vmem>>
      %dma_wait3A_1108 = tpu.memref_squeeze %dma_wait3A_1107 : memref<1x128x64xf32, #tpu.memory_space<vmem>> -> memref<128x64xf32, #tpu.memory_space<vmem>>
      tpu.wait_dma2 semaphore(%dma_wait3A_1102 : memref<!tpu.dma_semaphore, #tpu.memory_space<semaphore_mem>>) src(%dma_wait3A_1108 : memref<128x64xf32, #tpu.memory_space<vmem>>) dst(%dma_wait3A_1104 : memref<128x64xf32, #tpu.memory_space<hbm>>)
      %dma_start3A_1109 = arith.constant 7 : i32
      %dma_start3A_1110 = arith.constant 7 : i32
      %dma_start3A_1111 = arith.constant 0 : i32
      %dma_start3A_1112 = arith.constant 0 : i32
      %dma_start3A_1113 = tpu.memref_slice %arg6[%dma_start3A_1109, %dma_start3A_1111, %dma_start3A_1112] : memref<8x128x64xf32, #tpu.memory_space<vmem>> -> memref<1x128x64xf32, #tpu.memory_space<vmem>>
      %dma_start3A_1114 = tpu.memref_squeeze %dma_start3A_1113 : memref<1x128x64xf32, #tpu.memory_space<vmem>> -> memref<128x64xf32, #tpu.memory_space<vmem>>
      %dma_start3A_1115 = arith.constant 0 : i32
      %dma_start3A_1116 = tpu.memref_slice %arg5[%add3A_1087, %dma_start3A_1115] : memref<200x128xi32, #tpu.memory_space<vmem>> -> memref<1x128xi32, #tpu.memory_space<vmem>>
      %dma_start3A_1117 = tpu.memref_squeeze %dma_start3A_1116 : memref<1x128xi32, #tpu.memory_space<vmem>> -> memref<128xi32, #tpu.memory_space<vmem>>
      %dma_start3A_1118 = arith.constant 0 : i32
      %dma_start3A_1119 = arith.constant 0 : i32
      %dma_start3A_1120 = tpu.memref_slice %arg2[%dma_start3A_1118, %dma_start3A_1119] : memref<1000000x64xf32, #tpu.memory_space<hbm>> -> memref<1000000x64xf32, #tpu.memory_space<hbm>>
      %dma_start3A_1121 = tpu.memref_slice %arg7[%dma_start3A_1110] : memref<8x!tpu.dma_semaphore, #tpu.memory_space<semaphore_mem>> -> memref<1x!tpu.dma_semaphore, #tpu.memory_space<semaphore_mem>>
      %dma_start3A_1122 = tpu.memref_squeeze %dma_start3A_1121 : memref<1x!tpu.dma_semaphore, #tpu.memory_space<semaphore_mem>> -> memref<!tpu.dma_semaphore, #tpu.memory_space<semaphore_mem>>
      tpu.enqueue_indirect_dma source(%dma_start3A_1120 : memref<1000000x64xf32, #tpu.memory_space<hbm>>) target(%dma_start3A_1114 : memref<128x64xf32, #tpu.memory_space<vmem>>) offsets(%dma_start3A_1117 : memref<128xi32, #tpu.memory_space<vmem>>) semaphore(%dma_start3A_1122 : memref<!tpu.dma_semaphore, #tpu.memory_space<semaphore_mem>>)
      %sub3A_1123 = arith.constant 4 : i32
      %sub3A_1124 = arith.subi %add3A_1087, %sub3A_1123 : i32
      %dma_wait3A_1125 = arith.constant 3 : i32
      %dma_wait3A_1126 = arith.constant 3 : i32
      %dma_wait3A_1127 = arith.constant 0 : i32
      %dma_wait3A_1128 = arith.constant 0 : i32
      %dma_wait3A_1129 = tpu.memref_slice %arg6[%dma_wait3A_1125, %dma_wait3A_1127, %dma_wait3A_1128] : memref<8x128x64xf32, #tpu.memory_space<vmem>> -> memref<1x128x64xf32, #tpu.memory_space<vmem>>
      %dma_wait3A_1130 = tpu.memref_squeeze %dma_wait3A_1129 : memref<1x128x64xf32, #tpu.memory_space<vmem>> -> memref<128x64xf32, #tpu.memory_space<vmem>>
      %dma_wait3A_1131 = arith.constant 0 : i32
      %dma_wait3A_1132 = tpu.memref_slice %arg5[%sub3A_1124, %dma_wait3A_1131] : memref<200x128xi32, #tpu.memory_space<vmem>> -> memref<1x128xi32, #tpu.memory_space<vmem>>
      %dma_wait3A_1133 = tpu.memref_squeeze %dma_wait3A_1132 : memref<1x128xi32, #tpu.memory_space<vmem>> -> memref<128xi32, #tpu.memory_space<vmem>>
      %dma_wait3A_1134 = arith.constant 0 : i32
      %dma_wait3A_1135 = arith.constant 0 : i32
      %dma_wait3A_1136 = tpu.memref_slice %arg2[%dma_wait3A_1134, %dma_wait3A_1135] : memref<1000000x64xf32, #tpu.memory_space<hbm>> -> memref<1000000x64xf32, #tpu.memory_space<hbm>>
      %dma_wait3A_1137 = tpu.memref_slice %arg7[%dma_wait3A_1126] : memref<8x!tpu.dma_semaphore, #tpu.memory_space<semaphore_mem>> -> memref<1x!tpu.dma_semaphore, #tpu.memory_space<semaphore_mem>>
      %dma_wait3A_1138 = tpu.memref_squeeze %dma_wait3A_1137 : memref<1x!tpu.dma_semaphore, #tpu.memory_space<semaphore_mem>> -> memref<!tpu.dma_semaphore, #tpu.memory_space<semaphore_mem>>
      tpu.wait_indirect_dma semaphore(%dma_wait3A_1138 : memref<!tpu.dma_semaphore, #tpu.memory_space<semaphore_mem>>) src(%dma_wait3A_1136 : memref<1000000x64xf32, #tpu.memory_space<hbm>>) dst(%dma_wait3A_1130 : memref<128x64xf32, #tpu.memory_space<vmem>>)
      %add3A_1139 = arith.addi %mul3A_2, %sub3A_1124 : i32
      %mul3A_1140 = arith.constant 128 : i32
      %mul3A_1141 = arith.muli %add3A_1139, %mul3A_1140 : i32
      %dma_start3A_1142 = arith.constant 3 : i32
      %dma_start3A_1143 = arith.constant 3 : i32
      %dma_start3A_1144 = arith.constant 0 : i32
      %dma_start3A_1145 = arith.constant 0 : i32
      %dma_start3A_1146 = tpu.memref_slice %arg6[%dma_start3A_1142, %dma_start3A_1144, %dma_start3A_1145] : memref<8x128x64xf32, #tpu.memory_space<vmem>> -> memref<1x128x64xf32, #tpu.memory_space<vmem>>
      %dma_start3A_1147 = tpu.memref_squeeze %dma_start3A_1146 : memref<1x128x64xf32, #tpu.memory_space<vmem>> -> memref<128x64xf32, #tpu.memory_space<vmem>>
      %dma_start3A_1148 = arith.constant 0 : i32
      %dma_start3A_1149 = tpu.memref_slice %arg4[%mul3A_1141, %dma_start3A_1148] : memref<819200x64xf32, #tpu.memory_space<hbm>> -> memref<128x64xf32, #tpu.memory_space<hbm>>
      %dma_start3A_1150 = tpu.memref_slice %arg8[%dma_start3A_1143] : memref<8x!tpu.dma_semaphore, #tpu.memory_space<semaphore_mem>> -> memref<1x!tpu.dma_semaphore, #tpu.memory_space<semaphore_mem>>
      %dma_start3A_1151 = tpu.memref_squeeze %dma_start3A_1150 : memref<1x!tpu.dma_semaphore, #tpu.memory_space<semaphore_mem>> -> memref<!tpu.dma_semaphore, #tpu.memory_space<semaphore_mem>>
      %dma_start3A_1152 = arith.constant 0 : i32
      %dma_start3A_1153 = tpu.memref_slice %arg4[%mul3A_1141, %dma_start3A_1152] : memref<819200x64xf32, #tpu.memory_space<hbm>> -> memref<128x64xf32, #tpu.memory_space<hbm>>
      %dma_start3A_1154 = arith.constant 0 : i32
      %dma_start3A_1155 = arith.constant 0 : i32
      %dma_start3A_1156 = tpu.memref_slice %arg6[%dma_start3A_1142, %dma_start3A_1154, %dma_start3A_1155] : memref<8x128x64xf32, #tpu.memory_space<vmem>> -> memref<1x128x64xf32, #tpu.memory_space<vmem>>
      %dma_start3A_1157 = tpu.memref_squeeze %dma_start3A_1156 : memref<1x128x64xf32, #tpu.memory_space<vmem>> -> memref<128x64xf32, #tpu.memory_space<vmem>>
      tpu.enqueue_dma source(%dma_start3A_1157 : memref<128x64xf32, #tpu.memory_space<vmem>>) target(%dma_start3A_1153 : memref<128x64xf32, #tpu.memory_space<hbm>>) target_semaphore(%dma_start3A_1151 : memref<!tpu.dma_semaphore, #tpu.memory_space<semaphore_mem>>)
    }
    %scan3A_265 = arith.constant 24 : i32
    %dma_wait3A_266 = arith.constant 196 : i32
    %dma_wait3A_267 = arith.constant 4 : i32
    %dma_wait3A_268 = arith.constant 4 : i32
    %dma_wait3A_269 = arith.constant 0 : i32
    %dma_wait3A_270 = arith.constant 0 : i32
    %dma_wait3A_271 = tpu.memref_slice %arg6[%dma_wait3A_267, %dma_wait3A_269, %dma_wait3A_270] : memref<8x128x64xf32, #tpu.memory_space<vmem>> -> memref<1x128x64xf32, #tpu.memory_space<vmem>>
    %dma_wait3A_272 = tpu.memref_squeeze %dma_wait3A_271 : memref<1x128x64xf32, #tpu.memory_space<vmem>> -> memref<128x64xf32, #tpu.memory_space<vmem>>
    %dma_wait3A_273 = arith.constant 0 : i32
    %dma_wait3A_274 = tpu.memref_slice %arg5[%dma_wait3A_266, %dma_wait3A_273] : memref<200x128xi32, #tpu.memory_space<vmem>> -> memref<1x128xi32, #tpu.memory_space<vmem>>
    %dma_wait3A_275 = tpu.memref_squeeze %dma_wait3A_274 : memref<1x128xi32, #tpu.memory_space<vmem>> -> memref<128xi32, #tpu.memory_space<vmem>>
    %dma_wait3A_276 = arith.constant 0 : i32
    %dma_wait3A_277 = arith.constant 0 : i32
    %dma_wait3A_278 = tpu.memref_slice %arg2[%dma_wait3A_276, %dma_wait3A_277] : memref<1000000x64xf32, #tpu.memory_space<hbm>> -> memref<1000000x64xf32, #tpu.memory_space<hbm>>
    %dma_wait3A_279 = tpu.memref_slice %arg7[%dma_wait3A_268] : memref<8x!tpu.dma_semaphore, #tpu.memory_space<semaphore_mem>> -> memref<1x!tpu.dma_semaphore, #tpu.memory_space<semaphore_mem>>
    %dma_wait3A_280 = tpu.memref_squeeze %dma_wait3A_279 : memref<1x!tpu.dma_semaphore, #tpu.memory_space<semaphore_mem>> -> memref<!tpu.dma_semaphore, #tpu.memory_space<semaphore_mem>>
    tpu.wait_indirect_dma semaphore(%dma_wait3A_280 : memref<!tpu.dma_semaphore, #tpu.memory_space<semaphore_mem>>) src(%dma_wait3A_278 : memref<1000000x64xf32, #tpu.memory_space<hbm>>) dst(%dma_wait3A_272 : memref<128x64xf32, #tpu.memory_space<vmem>>)
    %add3A_281 = arith.constant 196 : i32
    %add3A_282 = arith.addi %mul3A_2, %add3A_281 : i32
    %mul3A_283 = arith.constant 128 : i32
    %mul3A_284 = arith.muli %add3A_282, %mul3A_283 : i32
    %dma_start3A_285 = arith.constant 4 : i32
    %dma_start3A_286 = arith.constant 4 : i32
    %dma_start3A_287 = arith.constant 0 : i32
    %dma_start3A_288 = arith.constant 0 : i32
    %dma_start3A_289 = tpu.memref_slice %arg6[%dma_start3A_285, %dma_start3A_287, %dma_start3A_288] : memref<8x128x64xf32, #tpu.memory_space<vmem>> -> memref<1x128x64xf32, #tpu.memory_space<vmem>>
    %dma_start3A_290 = tpu.memref_squeeze %dma_start3A_289 : memref<1x128x64xf32, #tpu.memory_space<vmem>> -> memref<128x64xf32, #tpu.memory_space<vmem>>
    %dma_start3A_291 = arith.constant 0 : i32
    %dma_start3A_292 = tpu.memref_slice %arg4[%mul3A_284, %dma_start3A_291] : memref<819200x64xf32, #tpu.memory_space<hbm>> -> memref<128x64xf32, #tpu.memory_space<hbm>>
    %dma_start3A_293 = tpu.memref_slice %arg8[%dma_start3A_286] : memref<8x!tpu.dma_semaphore, #tpu.memory_space<semaphore_mem>> -> memref<1x!tpu.dma_semaphore, #tpu.memory_space<semaphore_mem>>
    %dma_start3A_294 = tpu.memref_squeeze %dma_start3A_293 : memref<1x!tpu.dma_semaphore, #tpu.memory_space<semaphore_mem>> -> memref<!tpu.dma_semaphore, #tpu.memory_space<semaphore_mem>>
    %dma_start3A_295 = arith.constant 0 : i32
    %dma_start3A_296 = tpu.memref_slice %arg4[%mul3A_284, %dma_start3A_295] : memref<819200x64xf32, #tpu.memory_space<hbm>> -> memref<128x64xf32, #tpu.memory_space<hbm>>
    %dma_start3A_297 = arith.constant 0 : i32
    %dma_start3A_298 = arith.constant 0 : i32
    %dma_start3A_299 = tpu.memref_slice %arg6[%dma_start3A_285, %dma_start3A_297, %dma_start3A_298] : memref<8x128x64xf32, #tpu.memory_space<vmem>> -> memref<1x128x64xf32, #tpu.memory_space<vmem>>
    %dma_start3A_300 = tpu.memref_squeeze %dma_start3A_299 : memref<1x128x64xf32, #tpu.memory_space<vmem>> -> memref<128x64xf32, #tpu.memory_space<vmem>>
    tpu.enqueue_dma source(%dma_start3A_300 : memref<128x64xf32, #tpu.memory_space<vmem>>) target(%dma_start3A_296 : memref<128x64xf32, #tpu.memory_space<hbm>>) target_semaphore(%dma_start3A_294 : memref<!tpu.dma_semaphore, #tpu.memory_space<semaphore_mem>>)
    %dma_wait3A_301 = arith.constant 197 : i32
    %dma_wait3A_302 = arith.constant 5 : i32
    %dma_wait3A_303 = arith.constant 5 : i32
    %dma_wait3A_304 = arith.constant 0 : i32
    %dma_wait3A_305 = arith.constant 0 : i32
    %dma_wait3A_306 = tpu.memref_slice %arg6[%dma_wait3A_302, %dma_wait3A_304, %dma_wait3A_305] : memref<8x128x64xf32, #tpu.memory_space<vmem>> -> memref<1x128x64xf32, #tpu.memory_space<vmem>>
    %dma_wait3A_307 = tpu.memref_squeeze %dma_wait3A_306 : memref<1x128x64xf32, #tpu.memory_space<vmem>> -> memref<128x64xf32, #tpu.memory_space<vmem>>
    %dma_wait3A_308 = arith.constant 0 : i32
    %dma_wait3A_309 = tpu.memref_slice %arg5[%dma_wait3A_301, %dma_wait3A_308] : memref<200x128xi32, #tpu.memory_space<vmem>> -> memref<1x128xi32, #tpu.memory_space<vmem>>
    %dma_wait3A_310 = tpu.memref_squeeze %dma_wait3A_309 : memref<1x128xi32, #tpu.memory_space<vmem>> -> memref<128xi32, #tpu.memory_space<vmem>>
    %dma_wait3A_311 = arith.constant 0 : i32
    %dma_wait3A_312 = arith.constant 0 : i32
    %dma_wait3A_313 = tpu.memref_slice %arg2[%dma_wait3A_311, %dma_wait3A_312] : memref<1000000x64xf32, #tpu.memory_space<hbm>> -> memref<1000000x64xf32, #tpu.memory_space<hbm>>
    %dma_wait3A_314 = tpu.memref_slice %arg7[%dma_wait3A_303] : memref<8x!tpu.dma_semaphore, #tpu.memory_space<semaphore_mem>> -> memref<1x!tpu.dma_semaphore, #tpu.memory_space<semaphore_mem>>
    %dma_wait3A_315 = tpu.memref_squeeze %dma_wait3A_314 : memref<1x!tpu.dma_semaphore, #tpu.memory_space<semaphore_mem>> -> memref<!tpu.dma_semaphore, #tpu.memory_space<semaphore_mem>>
    tpu.wait_indirect_dma semaphore(%dma_wait3A_315 : memref<!tpu.dma_semaphore, #tpu.memory_space<semaphore_mem>>) src(%dma_wait3A_313 : memref<1000000x64xf32, #tpu.memory_space<hbm>>) dst(%dma_wait3A_307 : memref<128x64xf32, #tpu.memory_space<vmem>>)
    %add3A_316 = arith.constant 197 : i32
    %add3A_317 = arith.addi %mul3A_2, %add3A_316 : i32
    %mul3A_318 = arith.constant 128 : i32
    %mul3A_319 = arith.muli %add3A_317, %mul3A_318 : i32
    %dma_start3A_320 = arith.constant 5 : i32
    %dma_start3A_321 = arith.constant 5 : i32
    %dma_start3A_322 = arith.constant 0 : i32
    %dma_start3A_323 = arith.constant 0 : i32
    %dma_start3A_324 = tpu.memref_slice %arg6[%dma_start3A_320, %dma_start3A_322, %dma_start3A_323] : memref<8x128x64xf32, #tpu.memory_space<vmem>> -> memref<1x128x64xf32, #tpu.memory_space<vmem>>
    %dma_start3A_325 = tpu.memref_squeeze %dma_start3A_324 : memref<1x128x64xf32, #tpu.memory_space<vmem>> -> memref<128x64xf32, #tpu.memory_space<vmem>>
    %dma_start3A_326 = arith.constant 0 : i32
    %dma_start3A_327 = tpu.memref_slice %arg4[%mul3A_319, %dma_start3A_326] : memref<819200x64xf32, #tpu.memory_space<hbm>> -> memref<128x64xf32, #tpu.memory_space<hbm>>
    %dma_start3A_328 = tpu.memref_slice %arg8[%dma_start3A_321] : memref<8x!tpu.dma_semaphore, #tpu.memory_space<semaphore_mem>> -> memref<1x!tpu.dma_semaphore, #tpu.memory_space<semaphore_mem>>
    %dma_start3A_329 = tpu.memref_squeeze %dma_start3A_328 : memref<1x!tpu.dma_semaphore, #tpu.memory_space<semaphore_mem>> -> memref<!tpu.dma_semaphore, #tpu.memory_space<semaphore_mem>>
    %dma_start3A_330 = arith.constant 0 : i32
    %dma_start3A_331 = tpu.memref_slice %arg4[%mul3A_319, %dma_start3A_330] : memref<819200x64xf32, #tpu.memory_space<hbm>> -> memref<128x64xf32, #tpu.memory_space<hbm>>
    %dma_start3A_332 = arith.constant 0 : i32
    %dma_start3A_333 = arith.constant 0 : i32
    %dma_start3A_334 = tpu.memref_slice %arg6[%dma_start3A_320, %dma_start3A_332, %dma_start3A_333] : memref<8x128x64xf32, #tpu.memory_space<vmem>> -> memref<1x128x64xf32, #tpu.memory_space<vmem>>
    %dma_start3A_335 = tpu.memref_squeeze %dma_start3A_334 : memref<1x128x64xf32, #tpu.memory_space<vmem>> -> memref<128x64xf32, #tpu.memory_space<vmem>>
    tpu.enqueue_dma source(%dma_start3A_335 : memref<128x64xf32, #tpu.memory_space<vmem>>) target(%dma_start3A_331 : memref<128x64xf32, #tpu.memory_space<hbm>>) target_semaphore(%dma_start3A_329 : memref<!tpu.dma_semaphore, #tpu.memory_space<semaphore_mem>>)
    %dma_wait3A_336 = arith.constant 198 : i32
    %dma_wait3A_337 = arith.constant 6 : i32
    %dma_wait3A_338 = arith.constant 6 : i32
    %dma_wait3A_339 = arith.constant 0 : i32
    %dma_wait3A_340 = arith.constant 0 : i32
    %dma_wait3A_341 = tpu.memref_slice %arg6[%dma_wait3A_337, %dma_wait3A_339, %dma_wait3A_340] : memref<8x128x64xf32, #tpu.memory_space<vmem>> -> memref<1x128x64xf32, #tpu.memory_space<vmem>>
    %dma_wait3A_342 = tpu.memref_squeeze %dma_wait3A_341 : memref<1x128x64xf32, #tpu.memory_space<vmem>> -> memref<128x64xf32, #tpu.memory_space<vmem>>
    %dma_wait3A_343 = arith.constant 0 : i32
    %dma_wait3A_344 = tpu.memref_slice %arg5[%dma_wait3A_336, %dma_wait3A_343] : memref<200x128xi32, #tpu.memory_space<vmem>> -> memref<1x128xi32, #tpu.memory_space<vmem>>
    %dma_wait3A_345 = tpu.memref_squeeze %dma_wait3A_344 : memref<1x128xi32, #tpu.memory_space<vmem>> -> memref<128xi32, #tpu.memory_space<vmem>>
    %dma_wait3A_346 = arith.constant 0 : i32
    %dma_wait3A_347 = arith.constant 0 : i32
    %dma_wait3A_348 = tpu.memref_slice %arg2[%dma_wait3A_346, %dma_wait3A_347] : memref<1000000x64xf32, #tpu.memory_space<hbm>> -> memref<1000000x64xf32, #tpu.memory_space<hbm>>
    %dma_wait3A_349 = tpu.memref_slice %arg7[%dma_wait3A_338] : memref<8x!tpu.dma_semaphore, #tpu.memory_space<semaphore_mem>> -> memref<1x!tpu.dma_semaphore, #tpu.memory_space<semaphore_mem>>
    %dma_wait3A_350 = tpu.memref_squeeze %dma_wait3A_349 : memref<1x!tpu.dma_semaphore, #tpu.memory_space<semaphore_mem>> -> memref<!tpu.dma_semaphore, #tpu.memory_space<semaphore_mem>>
    tpu.wait_indirect_dma semaphore(%dma_wait3A_350 : memref<!tpu.dma_semaphore, #tpu.memory_space<semaphore_mem>>) src(%dma_wait3A_348 : memref<1000000x64xf32, #tpu.memory_space<hbm>>) dst(%dma_wait3A_342 : memref<128x64xf32, #tpu.memory_space<vmem>>)
    %add3A_351 = arith.constant 198 : i32
    %add3A_352 = arith.addi %mul3A_2, %add3A_351 : i32
    %mul3A_353 = arith.constant 128 : i32
    %mul3A_354 = arith.muli %add3A_352, %mul3A_353 : i32
    %dma_start3A_355 = arith.constant 6 : i32
    %dma_start3A_356 = arith.constant 6 : i32
    %dma_start3A_357 = arith.constant 0 : i32
    %dma_start3A_358 = arith.constant 0 : i32
    %dma_start3A_359 = tpu.memref_slice %arg6[%dma_start3A_355, %dma_start3A_357, %dma_start3A_358] : memref<8x128x64xf32, #tpu.memory_space<vmem>> -> memref<1x128x64xf32, #tpu.memory_space<vmem>>
    %dma_start3A_360 = tpu.memref_squeeze %dma_start3A_359 : memref<1x128x64xf32, #tpu.memory_space<vmem>> -> memref<128x64xf32, #tpu.memory_space<vmem>>
    %dma_start3A_361 = arith.constant 0 : i32
    %dma_start3A_362 = tpu.memref_slice %arg4[%mul3A_354, %dma_start3A_361] : memref<819200x64xf32, #tpu.memory_space<hbm>> -> memref<128x64xf32, #tpu.memory_space<hbm>>
    %dma_start3A_363 = tpu.memref_slice %arg8[%dma_start3A_356] : memref<8x!tpu.dma_semaphore, #tpu.memory_space<semaphore_mem>> -> memref<1x!tpu.dma_semaphore, #tpu.memory_space<semaphore_mem>>
    %dma_start3A_364 = tpu.memref_squeeze %dma_start3A_363 : memref<1x!tpu.dma_semaphore, #tpu.memory_space<semaphore_mem>> -> memref<!tpu.dma_semaphore, #tpu.memory_space<semaphore_mem>>
    %dma_start3A_365 = arith.constant 0 : i32
    %dma_start3A_366 = tpu.memref_slice %arg4[%mul3A_354, %dma_start3A_365] : memref<819200x64xf32, #tpu.memory_space<hbm>> -> memref<128x64xf32, #tpu.memory_space<hbm>>
    %dma_start3A_367 = arith.constant 0 : i32
    %dma_start3A_368 = arith.constant 0 : i32
    %dma_start3A_369 = tpu.memref_slice %arg6[%dma_start3A_355, %dma_start3A_367, %dma_start3A_368] : memref<8x128x64xf32, #tpu.memory_space<vmem>> -> memref<1x128x64xf32, #tpu.memory_space<vmem>>
    %dma_start3A_370 = tpu.memref_squeeze %dma_start3A_369 : memref<1x128x64xf32, #tpu.memory_space<vmem>> -> memref<128x64xf32, #tpu.memory_space<vmem>>
    tpu.enqueue_dma source(%dma_start3A_370 : memref<128x64xf32, #tpu.memory_space<vmem>>) target(%dma_start3A_366 : memref<128x64xf32, #tpu.memory_space<hbm>>) target_semaphore(%dma_start3A_364 : memref<!tpu.dma_semaphore, #tpu.memory_space<semaphore_mem>>)
    %dma_wait3A_371 = arith.constant 199 : i32
    %dma_wait3A_372 = arith.constant 7 : i32
    %dma_wait3A_373 = arith.constant 7 : i32
    %dma_wait3A_374 = arith.constant 0 : i32
    %dma_wait3A_375 = arith.constant 0 : i32
    %dma_wait3A_376 = tpu.memref_slice %arg6[%dma_wait3A_372, %dma_wait3A_374, %dma_wait3A_375] : memref<8x128x64xf32, #tpu.memory_space<vmem>> -> memref<1x128x64xf32, #tpu.memory_space<vmem>>
    %dma_wait3A_377 = tpu.memref_squeeze %dma_wait3A_376 : memref<1x128x64xf32, #tpu.memory_space<vmem>> -> memref<128x64xf32, #tpu.memory_space<vmem>>
    %dma_wait3A_378 = arith.constant 0 : i32
    %dma_wait3A_379 = tpu.memref_slice %arg5[%dma_wait3A_371, %dma_wait3A_378] : memref<200x128xi32, #tpu.memory_space<vmem>> -> memref<1x128xi32, #tpu.memory_space<vmem>>
    %dma_wait3A_380 = tpu.memref_squeeze %dma_wait3A_379 : memref<1x128xi32, #tpu.memory_space<vmem>> -> memref<128xi32, #tpu.memory_space<vmem>>
    %dma_wait3A_381 = arith.constant 0 : i32
    %dma_wait3A_382 = arith.constant 0 : i32
    %dma_wait3A_383 = tpu.memref_slice %arg2[%dma_wait3A_381, %dma_wait3A_382] : memref<1000000x64xf32, #tpu.memory_space<hbm>> -> memref<1000000x64xf32, #tpu.memory_space<hbm>>
    %dma_wait3A_384 = tpu.memref_slice %arg7[%dma_wait3A_373] : memref<8x!tpu.dma_semaphore, #tpu.memory_space<semaphore_mem>> -> memref<1x!tpu.dma_semaphore, #tpu.memory_space<semaphore_mem>>
    %dma_wait3A_385 = tpu.memref_squeeze %dma_wait3A_384 : memref<1x!tpu.dma_semaphore, #tpu.memory_space<semaphore_mem>> -> memref<!tpu.dma_semaphore, #tpu.memory_space<semaphore_mem>>
    tpu.wait_indirect_dma semaphore(%dma_wait3A_385 : memref<!tpu.dma_semaphore, #tpu.memory_space<semaphore_mem>>) src(%dma_wait3A_383 : memref<1000000x64xf32, #tpu.memory_space<hbm>>) dst(%dma_wait3A_377 : memref<128x64xf32, #tpu.memory_space<vmem>>)
    %add3A_386 = arith.constant 199 : i32
    %add3A_387 = arith.addi %mul3A_2, %add3A_386 : i32
    %mul3A_388 = arith.constant 128 : i32
    %mul3A_389 = arith.muli %add3A_387, %mul3A_388 : i32
    %dma_start3A_390 = arith.constant 7 : i32
    %dma_start3A_391 = arith.constant 7 : i32
    %dma_start3A_392 = arith.constant 0 : i32
    %dma_start3A_393 = arith.constant 0 : i32
    %dma_start3A_394 = tpu.memref_slice %arg6[%dma_start3A_390, %dma_start3A_392, %dma_start3A_393] : memref<8x128x64xf32, #tpu.memory_space<vmem>> -> memref<1x128x64xf32, #tpu.memory_space<vmem>>
    %dma_start3A_395 = tpu.memref_squeeze %dma_start3A_394 : memref<1x128x64xf32, #tpu.memory_space<vmem>> -> memref<128x64xf32, #tpu.memory_space<vmem>>
    %dma_start3A_396 = arith.constant 0 : i32
    %dma_start3A_397 = tpu.memref_slice %arg4[%mul3A_389, %dma_start3A_396] : memref<819200x64xf32, #tpu.memory_space<hbm>> -> memref<128x64xf32, #tpu.memory_space<hbm>>
    %dma_start3A_398 = tpu.memref_slice %arg8[%dma_start3A_391] : memref<8x!tpu.dma_semaphore, #tpu.memory_space<semaphore_mem>> -> memref<1x!tpu.dma_semaphore, #tpu.memory_space<semaphore_mem>>
    %dma_start3A_399 = tpu.memref_squeeze %dma_start3A_398 : memref<1x!tpu.dma_semaphore, #tpu.memory_space<semaphore_mem>> -> memref<!tpu.dma_semaphore, #tpu.memory_space<semaphore_mem>>
    %dma_start3A_400 = arith.constant 0 : i32
    %dma_start3A_401 = tpu.memref_slice %arg4[%mul3A_389, %dma_start3A_400] : memref<819200x64xf32, #tpu.memory_space<hbm>> -> memref<128x64xf32, #tpu.memory_space<hbm>>
    %dma_start3A_402 = arith.constant 0 : i32
    %dma_start3A_403 = arith.constant 0 : i32
    %dma_start3A_404 = tpu.memref_slice %arg6[%dma_start3A_390, %dma_start3A_402, %dma_start3A_403] : memref<8x128x64xf32, #tpu.memory_space<vmem>> -> memref<1x128x64xf32, #tpu.memory_space<vmem>>
    %dma_start3A_405 = tpu.memref_squeeze %dma_start3A_404 : memref<1x128x64xf32, #tpu.memory_space<vmem>> -> memref<128x64xf32, #tpu.memory_space<vmem>>
    tpu.enqueue_dma source(%dma_start3A_405 : memref<128x64xf32, #tpu.memory_space<vmem>>) target(%dma_start3A_401 : memref<128x64xf32, #tpu.memory_space<hbm>>) target_semaphore(%dma_start3A_399 : memref<!tpu.dma_semaphore, #tpu.memory_space<semaphore_mem>>)
    %add3A_406 = arith.constant 192 : i32
    %add3A_407 = arith.addi %mul3A_2, %add3A_406 : i32
    %mul3A_408 = arith.constant 128 : i32
    %mul3A_409 = arith.muli %add3A_407, %mul3A_408 : i32
    %dma_wait3A_410 = arith.constant 0 : i32
    %dma_wait3A_411 = arith.constant 0 : i32
    %dma_wait3A_412 = arith.constant 0 : i32
    %dma_wait3A_413 = arith.constant 0 : i32
    %dma_wait3A_414 = tpu.memref_slice %arg6[%dma_wait3A_410, %dma_wait3A_412, %dma_wait3A_413] : memref<8x128x64xf32, #tpu.memory_space<vmem>> -> memref<1x128x64xf32, #tpu.memory_space<vmem>>
    %dma_wait3A_415 = tpu.memref_squeeze %dma_wait3A_414 : memref<1x128x64xf32, #tpu.memory_space<vmem>> -> memref<128x64xf32, #tpu.memory_space<vmem>>
    %dma_wait3A_416 = arith.constant 0 : i32
    %dma_wait3A_417 = tpu.memref_slice %arg4[%mul3A_409, %dma_wait3A_416] : memref<819200x64xf32, #tpu.memory_space<hbm>> -> memref<128x64xf32, #tpu.memory_space<hbm>>
    %dma_wait3A_418 = tpu.memref_slice %arg8[%dma_wait3A_411] : memref<8x!tpu.dma_semaphore, #tpu.memory_space<semaphore_mem>> -> memref<1x!tpu.dma_semaphore, #tpu.memory_space<semaphore_mem>>
    %dma_wait3A_419 = tpu.memref_squeeze %dma_wait3A_418 : memref<1x!tpu.dma_semaphore, #tpu.memory_space<semaphore_mem>> -> memref<!tpu.dma_semaphore, #tpu.memory_space<semaphore_mem>>
    %dma_wait3A_420 = arith.constant 0 : i32
    %dma_wait3A_421 = tpu.memref_slice %arg4[%mul3A_409, %dma_wait3A_420] : memref<819200x64xf32, #tpu.memory_space<hbm>> -> memref<128x64xf32, #tpu.memory_space<hbm>>
    %dma_wait3A_422 = arith.constant 0 : i32
    %dma_wait3A_423 = arith.constant 0 : i32
    %dma_wait3A_424 = tpu.memref_slice %arg6[%dma_wait3A_410, %dma_wait3A_422, %dma_wait3A_423] : memref<8x128x64xf32, #tpu.memory_space<vmem>> -> memref<1x128x64xf32, #tpu.memory_space<vmem>>
    %dma_wait3A_425 = tpu.memref_squeeze %dma_wait3A_424 : memref<1x128x64xf32, #tpu.memory_space<vmem>> -> memref<128x64xf32, #tpu.memory_space<vmem>>
    tpu.wait_dma2 semaphore(%dma_wait3A_419 : memref<!tpu.dma_semaphore, #tpu.memory_space<semaphore_mem>>) src(%dma_wait3A_425 : memref<128x64xf32, #tpu.memory_space<vmem>>) dst(%dma_wait3A_421 : memref<128x64xf32, #tpu.memory_space<hbm>>)
    %add3A_426 = arith.constant 193 : i32
    %add3A_427 = arith.addi %mul3A_2, %add3A_426 : i32
    %mul3A_428 = arith.constant 128 : i32
    %mul3A_429 = arith.muli %add3A_427, %mul3A_428 : i32
    %dma_wait3A_430 = arith.constant 1 : i32
    %dma_wait3A_431 = arith.constant 1 : i32
    %dma_wait3A_432 = arith.constant 0 : i32
    %dma_wait3A_433 = arith.constant 0 : i32
    %dma_wait3A_434 = tpu.memref_slice %arg6[%dma_wait3A_430, %dma_wait3A_432, %dma_wait3A_433] : memref<8x128x64xf32, #tpu.memory_space<vmem>> -> memref<1x128x64xf32, #tpu.memory_space<vmem>>
    %dma_wait3A_435 = tpu.memref_squeeze %dma_wait3A_434 : memref<1x128x64xf32, #tpu.memory_space<vmem>> -> memref<128x64xf32, #tpu.memory_space<vmem>>
    %dma_wait3A_436 = arith.constant 0 : i32
    %dma_wait3A_437 = tpu.memref_slice %arg4[%mul3A_429, %dma_wait3A_436] : memref<819200x64xf32, #tpu.memory_space<hbm>> -> memref<128x64xf32, #tpu.memory_space<hbm>>
    %dma_wait3A_438 = tpu.memref_slice %arg8[%dma_wait3A_431] : memref<8x!tpu.dma_semaphore, #tpu.memory_space<semaphore_mem>> -> memref<1x!tpu.dma_semaphore, #tpu.memory_space<semaphore_mem>>
    %dma_wait3A_439 = tpu.memref_squeeze %dma_wait3A_438 : memref<1x!tpu.dma_semaphore, #tpu.memory_space<semaphore_mem>> -> memref<!tpu.dma_semaphore, #tpu.memory_space<semaphore_mem>>
    %dma_wait3A_440 = arith.constant 0 : i32
    %dma_wait3A_441 = tpu.memref_slice %arg4[%mul3A_429, %dma_wait3A_440] : memref<819200x64xf32, #tpu.memory_space<hbm>> -> memref<128x64xf32, #tpu.memory_space<hbm>>
    %dma_wait3A_442 = arith.constant 0 : i32
    %dma_wait3A_443 = arith.constant 0 : i32
    %dma_wait3A_444 = tpu.memref_slice %arg6[%dma_wait3A_430, %dma_wait3A_442, %dma_wait3A_443] : memref<8x128x64xf32, #tpu.memory_space<vmem>> -> memref<1x128x64xf32, #tpu.memory_space<vmem>>
    %dma_wait3A_445 = tpu.memref_squeeze %dma_wait3A_444 : memref<1x128x64xf32, #tpu.memory_space<vmem>> -> memref<128x64xf32, #tpu.memory_space<vmem>>
    tpu.wait_dma2 semaphore(%dma_wait3A_439 : memref<!tpu.dma_semaphore, #tpu.memory_space<semaphore_mem>>) src(%dma_wait3A_445 : memref<128x64xf32, #tpu.memory_space<vmem>>) dst(%dma_wait3A_441 : memref<128x64xf32, #tpu.memory_space<hbm>>)
    %add3A_446 = arith.constant 194 : i32
    %add3A_447 = arith.addi %mul3A_2, %add3A_446 : i32
    %mul3A_448 = arith.constant 128 : i32
    %mul3A_449 = arith.muli %add3A_447, %mul3A_448 : i32
    %dma_wait3A_450 = arith.constant 2 : i32
    %dma_wait3A_451 = arith.constant 2 : i32
    %dma_wait3A_452 = arith.constant 0 : i32
    %dma_wait3A_453 = arith.constant 0 : i32
    %dma_wait3A_454 = tpu.memref_slice %arg6[%dma_wait3A_450, %dma_wait3A_452, %dma_wait3A_453] : memref<8x128x64xf32, #tpu.memory_space<vmem>> -> memref<1x128x64xf32, #tpu.memory_space<vmem>>
    %dma_wait3A_455 = tpu.memref_squeeze %dma_wait3A_454 : memref<1x128x64xf32, #tpu.memory_space<vmem>> -> memref<128x64xf32, #tpu.memory_space<vmem>>
    %dma_wait3A_456 = arith.constant 0 : i32
    %dma_wait3A_457 = tpu.memref_slice %arg4[%mul3A_449, %dma_wait3A_456] : memref<819200x64xf32, #tpu.memory_space<hbm>> -> memref<128x64xf32, #tpu.memory_space<hbm>>
    %dma_wait3A_458 = tpu.memref_slice %arg8[%dma_wait3A_451] : memref<8x!tpu.dma_semaphore, #tpu.memory_space<semaphore_mem>> -> memref<1x!tpu.dma_semaphore, #tpu.memory_space<semaphore_mem>>
    %dma_wait3A_459 = tpu.memref_squeeze %dma_wait3A_458 : memref<1x!tpu.dma_semaphore, #tpu.memory_space<semaphore_mem>> -> memref<!tpu.dma_semaphore, #tpu.memory_space<semaphore_mem>>
    %dma_wait3A_460 = arith.constant 0 : i32
    %dma_wait3A_461 = tpu.memref_slice %arg4[%mul3A_449, %dma_wait3A_460] : memref<819200x64xf32, #tpu.memory_space<hbm>> -> memref<128x64xf32, #tpu.memory_space<hbm>>
    %dma_wait3A_462 = arith.constant 0 : i32
    %dma_wait3A_463 = arith.constant 0 : i32
    %dma_wait3A_464 = tpu.memref_slice %arg6[%dma_wait3A_450, %dma_wait3A_462, %dma_wait3A_463] : memref<8x128x64xf32, #tpu.memory_space<vmem>> -> memref<1x128x64xf32, #tpu.memory_space<vmem>>
    %dma_wait3A_465 = tpu.memref_squeeze %dma_wait3A_464 : memref<1x128x64xf32, #tpu.memory_space<vmem>> -> memref<128x64xf32, #tpu.memory_space<vmem>>
    tpu.wait_dma2 semaphore(%dma_wait3A_459 : memref<!tpu.dma_semaphore, #tpu.memory_space<semaphore_mem>>) src(%dma_wait3A_465 : memref<128x64xf32, #tpu.memory_space<vmem>>) dst(%dma_wait3A_461 : memref<128x64xf32, #tpu.memory_space<hbm>>)
    %add3A_466 = arith.constant 195 : i32
    %add3A_467 = arith.addi %mul3A_2, %add3A_466 : i32
    %mul3A_468 = arith.constant 128 : i32
    %mul3A_469 = arith.muli %add3A_467, %mul3A_468 : i32
    %dma_wait3A_470 = arith.constant 3 : i32
    %dma_wait3A_471 = arith.constant 3 : i32
    %dma_wait3A_472 = arith.constant 0 : i32
    %dma_wait3A_473 = arith.constant 0 : i32
    %dma_wait3A_474 = tpu.memref_slice %arg6[%dma_wait3A_470, %dma_wait3A_472, %dma_wait3A_473] : memref<8x128x64xf32, #tpu.memory_space<vmem>> -> memref<1x128x64xf32, #tpu.memory_space<vmem>>
    %dma_wait3A_475 = tpu.memref_squeeze %dma_wait3A_474 : memref<1x128x64xf32, #tpu.memory_space<vmem>> -> memref<128x64xf32, #tpu.memory_space<vmem>>
    %dma_wait3A_476 = arith.constant 0 : i32
    %dma_wait3A_477 = tpu.memref_slice %arg4[%mul3A_469, %dma_wait3A_476] : memref<819200x64xf32, #tpu.memory_space<hbm>> -> memref<128x64xf32, #tpu.memory_space<hbm>>
    %dma_wait3A_478 = tpu.memref_slice %arg8[%dma_wait3A_471] : memref<8x!tpu.dma_semaphore, #tpu.memory_space<semaphore_mem>> -> memref<1x!tpu.dma_semaphore, #tpu.memory_space<semaphore_mem>>
    %dma_wait3A_479 = tpu.memref_squeeze %dma_wait3A_478 : memref<1x!tpu.dma_semaphore, #tpu.memory_space<semaphore_mem>> -> memref<!tpu.dma_semaphore, #tpu.memory_space<semaphore_mem>>
    %dma_wait3A_480 = arith.constant 0 : i32
    %dma_wait3A_481 = tpu.memref_slice %arg4[%mul3A_469, %dma_wait3A_480] : memref<819200x64xf32, #tpu.memory_space<hbm>> -> memref<128x64xf32, #tpu.memory_space<hbm>>
    %dma_wait3A_482 = arith.constant 0 : i32
    %dma_wait3A_483 = arith.constant 0 : i32
    %dma_wait3A_484 = tpu.memref_slice %arg6[%dma_wait3A_470, %dma_wait3A_482, %dma_wait3A_483] : memref<8x128x64xf32, #tpu.memory_space<vmem>> -> memref<1x128x64xf32, #tpu.memory_space<vmem>>
    %dma_wait3A_485 = tpu.memref_squeeze %dma_wait3A_484 : memref<1x128x64xf32, #tpu.memory_space<vmem>> -> memref<128x64xf32, #tpu.memory_space<vmem>>
    tpu.wait_dma2 semaphore(%dma_wait3A_479 : memref<!tpu.dma_semaphore, #tpu.memory_space<semaphore_mem>>) src(%dma_wait3A_485 : memref<128x64xf32, #tpu.memory_space<vmem>>) dst(%dma_wait3A_481 : memref<128x64xf32, #tpu.memory_space<hbm>>)
    %add3A_486 = arith.constant 196 : i32
    %add3A_487 = arith.addi %mul3A_2, %add3A_486 : i32
    %mul3A_488 = arith.constant 128 : i32
    %mul3A_489 = arith.muli %add3A_487, %mul3A_488 : i32
    %dma_wait3A_490 = arith.constant 4 : i32
    %dma_wait3A_491 = arith.constant 4 : i32
    %dma_wait3A_492 = arith.constant 0 : i32
    %dma_wait3A_493 = arith.constant 0 : i32
    %dma_wait3A_494 = tpu.memref_slice %arg6[%dma_wait3A_490, %dma_wait3A_492, %dma_wait3A_493] : memref<8x128x64xf32, #tpu.memory_space<vmem>> -> memref<1x128x64xf32, #tpu.memory_space<vmem>>
    %dma_wait3A_495 = tpu.memref_squeeze %dma_wait3A_494 : memref<1x128x64xf32, #tpu.memory_space<vmem>> -> memref<128x64xf32, #tpu.memory_space<vmem>>
    %dma_wait3A_496 = arith.constant 0 : i32
    %dma_wait3A_497 = tpu.memref_slice %arg4[%mul3A_489, %dma_wait3A_496] : memref<819200x64xf32, #tpu.memory_space<hbm>> -> memref<128x64xf32, #tpu.memory_space<hbm>>
    %dma_wait3A_498 = tpu.memref_slice %arg8[%dma_wait3A_491] : memref<8x!tpu.dma_semaphore, #tpu.memory_space<semaphore_mem>> -> memref<1x!tpu.dma_semaphore, #tpu.memory_space<semaphore_mem>>
    %dma_wait3A_499 = tpu.memref_squeeze %dma_wait3A_498 : memref<1x!tpu.dma_semaphore, #tpu.memory_space<semaphore_mem>> -> memref<!tpu.dma_semaphore, #tpu.memory_space<semaphore_mem>>
    %dma_wait3A_500 = arith.constant 0 : i32
    %dma_wait3A_501 = tpu.memref_slice %arg4[%mul3A_489, %dma_wait3A_500] : memref<819200x64xf32, #tpu.memory_space<hbm>> -> memref<128x64xf32, #tpu.memory_space<hbm>>
    %dma_wait3A_502 = arith.constant 0 : i32
    %dma_wait3A_503 = arith.constant 0 : i32
    %dma_wait3A_504 = tpu.memref_slice %arg6[%dma_wait3A_490, %dma_wait3A_502, %dma_wait3A_503] : memref<8x128x64xf32, #tpu.memory_space<vmem>> -> memref<1x128x64xf32, #tpu.memory_space<vmem>>
    %dma_wait3A_505 = tpu.memref_squeeze %dma_wait3A_504 : memref<1x128x64xf32, #tpu.memory_space<vmem>> -> memref<128x64xf32, #tpu.memory_space<vmem>>
    tpu.wait_dma2 semaphore(%dma_wait3A_499 : memref<!tpu.dma_semaphore, #tpu.memory_space<semaphore_mem>>) src(%dma_wait3A_505 : memref<128x64xf32, #tpu.memory_space<vmem>>) dst(%dma_wait3A_501 : memref<128x64xf32, #tpu.memory_space<hbm>>)
    %add3A_506 = arith.constant 197 : i32
    %add3A_507 = arith.addi %mul3A_2, %add3A_506 : i32
    %mul3A_508 = arith.constant 128 : i32
    %mul3A_509 = arith.muli %add3A_507, %mul3A_508 : i32
    %dma_wait3A_510 = arith.constant 5 : i32
    %dma_wait3A_511 = arith.constant 5 : i32
    %dma_wait3A_512 = arith.constant 0 : i32
    %dma_wait3A_513 = arith.constant 0 : i32
    %dma_wait3A_514 = tpu.memref_slice %arg6[%dma_wait3A_510, %dma_wait3A_512, %dma_wait3A_513] : memref<8x128x64xf32, #tpu.memory_space<vmem>> -> memref<1x128x64xf32, #tpu.memory_space<vmem>>
    %dma_wait3A_515 = tpu.memref_squeeze %dma_wait3A_514 : memref<1x128x64xf32, #tpu.memory_space<vmem>> -> memref<128x64xf32, #tpu.memory_space<vmem>>
    %dma_wait3A_516 = arith.constant 0 : i32
    %dma_wait3A_517 = tpu.memref_slice %arg4[%mul3A_509, %dma_wait3A_516] : memref<819200x64xf32, #tpu.memory_space<hbm>> -> memref<128x64xf32, #tpu.memory_space<hbm>>
    %dma_wait3A_518 = tpu.memref_slice %arg8[%dma_wait3A_511] : memref<8x!tpu.dma_semaphore, #tpu.memory_space<semaphore_mem>> -> memref<1x!tpu.dma_semaphore, #tpu.memory_space<semaphore_mem>>
    %dma_wait3A_519 = tpu.memref_squeeze %dma_wait3A_518 : memref<1x!tpu.dma_semaphore, #tpu.memory_space<semaphore_mem>> -> memref<!tpu.dma_semaphore, #tpu.memory_space<semaphore_mem>>
    %dma_wait3A_520 = arith.constant 0 : i32
    %dma_wait3A_521 = tpu.memref_slice %arg4[%mul3A_509, %dma_wait3A_520] : memref<819200x64xf32, #tpu.memory_space<hbm>> -> memref<128x64xf32, #tpu.memory_space<hbm>>
    %dma_wait3A_522 = arith.constant 0 : i32
    %dma_wait3A_523 = arith.constant 0 : i32
    %dma_wait3A_524 = tpu.memref_slice %arg6[%dma_wait3A_510, %dma_wait3A_522, %dma_wait3A_523] : memref<8x128x64xf32, #tpu.memory_space<vmem>> -> memref<1x128x64xf32, #tpu.memory_space<vmem>>
    %dma_wait3A_525 = tpu.memref_squeeze %dma_wait3A_524 : memref<1x128x64xf32, #tpu.memory_space<vmem>> -> memref<128x64xf32, #tpu.memory_space<vmem>>
    tpu.wait_dma2 semaphore(%dma_wait3A_519 : memref<!tpu.dma_semaphore, #tpu.memory_space<semaphore_mem>>) src(%dma_wait3A_525 : memref<128x64xf32, #tpu.memory_space<vmem>>) dst(%dma_wait3A_521 : memref<128x64xf32, #tpu.memory_space<hbm>>)
    %add3A_526 = arith.constant 198 : i32
    %add3A_527 = arith.addi %mul3A_2, %add3A_526 : i32
    %mul3A_528 = arith.constant 128 : i32
    %mul3A_529 = arith.muli %add3A_527, %mul3A_528 : i32
    %dma_wait3A_530 = arith.constant 6 : i32
    %dma_wait3A_531 = arith.constant 6 : i32
    %dma_wait3A_532 = arith.constant 0 : i32
    %dma_wait3A_533 = arith.constant 0 : i32
    %dma_wait3A_534 = tpu.memref_slice %arg6[%dma_wait3A_530, %dma_wait3A_532, %dma_wait3A_533] : memref<8x128x64xf32, #tpu.memory_space<vmem>> -> memref<1x128x64xf32, #tpu.memory_space<vmem>>
    %dma_wait3A_535 = tpu.memref_squeeze %dma_wait3A_534 : memref<1x128x64xf32, #tpu.memory_space<vmem>> -> memref<128x64xf32, #tpu.memory_space<vmem>>
    %dma_wait3A_536 = arith.constant 0 : i32
    %dma_wait3A_537 = tpu.memref_slice %arg4[%mul3A_529, %dma_wait3A_536] : memref<819200x64xf32, #tpu.memory_space<hbm>> -> memref<128x64xf32, #tpu.memory_space<hbm>>
    %dma_wait3A_538 = tpu.memref_slice %arg8[%dma_wait3A_531] : memref<8x!tpu.dma_semaphore, #tpu.memory_space<semaphore_mem>> -> memref<1x!tpu.dma_semaphore, #tpu.memory_space<semaphore_mem>>
    %dma_wait3A_539 = tpu.memref_squeeze %dma_wait3A_538 : memref<1x!tpu.dma_semaphore, #tpu.memory_space<semaphore_mem>> -> memref<!tpu.dma_semaphore, #tpu.memory_space<semaphore_mem>>
    %dma_wait3A_540 = arith.constant 0 : i32
    %dma_wait3A_541 = tpu.memref_slice %arg4[%mul3A_529, %dma_wait3A_540] : memref<819200x64xf32, #tpu.memory_space<hbm>> -> memref<128x64xf32, #tpu.memory_space<hbm>>
    %dma_wait3A_542 = arith.constant 0 : i32
    %dma_wait3A_543 = arith.constant 0 : i32
    %dma_wait3A_544 = tpu.memref_slice %arg6[%dma_wait3A_530, %dma_wait3A_542, %dma_wait3A_543] : memref<8x128x64xf32, #tpu.memory_space<vmem>> -> memref<1x128x64xf32, #tpu.memory_space<vmem>>
    %dma_wait3A_545 = tpu.memref_squeeze %dma_wait3A_544 : memref<1x128x64xf32, #tpu.memory_space<vmem>> -> memref<128x64xf32, #tpu.memory_space<vmem>>
    tpu.wait_dma2 semaphore(%dma_wait3A_539 : memref<!tpu.dma_semaphore, #tpu.memory_space<semaphore_mem>>) src(%dma_wait3A_545 : memref<128x64xf32, #tpu.memory_space<vmem>>) dst(%dma_wait3A_541 : memref<128x64xf32, #tpu.memory_space<hbm>>)
    %add3A_546 = arith.constant 199 : i32
    %add3A_547 = arith.addi %mul3A_2, %add3A_546 : i32
    %mul3A_548 = arith.constant 128 : i32
    %mul3A_549 = arith.muli %add3A_547, %mul3A_548 : i32
    %dma_wait3A_550 = arith.constant 7 : i32
    %dma_wait3A_551 = arith.constant 7 : i32
    %dma_wait3A_552 = arith.constant 0 : i32
    %dma_wait3A_553 = arith.constant 0 : i32
    %dma_wait3A_554 = tpu.memref_slice %arg6[%dma_wait3A_550, %dma_wait3A_552, %dma_wait3A_553] : memref<8x128x64xf32, #tpu.memory_space<vmem>> -> memref<1x128x64xf32, #tpu.memory_space<vmem>>
    %dma_wait3A_555 = tpu.memref_squeeze %dma_wait3A_554 : memref<1x128x64xf32, #tpu.memory_space<vmem>> -> memref<128x64xf32, #tpu.memory_space<vmem>>
    %dma_wait3A_556 = arith.constant 0 : i32
    %dma_wait3A_557 = tpu.memref_slice %arg4[%mul3A_549, %dma_wait3A_556] : memref<819200x64xf32, #tpu.memory_space<hbm>> -> memref<128x64xf32, #tpu.memory_space<hbm>>
    %dma_wait3A_558 = tpu.memref_slice %arg8[%dma_wait3A_551] : memref<8x!tpu.dma_semaphore, #tpu.memory_space<semaphore_mem>> -> memref<1x!tpu.dma_semaphore, #tpu.memory_space<semaphore_mem>>
    %dma_wait3A_559 = tpu.memref_squeeze %dma_wait3A_558 : memref<1x!tpu.dma_semaphore, #tpu.memory_space<semaphore_mem>> -> memref<!tpu.dma_semaphore, #tpu.memory_space<semaphore_mem>>
    %dma_wait3A_560 = arith.constant 0 : i32
    %dma_wait3A_561 = tpu.memref_slice %arg4[%mul3A_549, %dma_wait3A_560] : memref<819200x64xf32, #tpu.memory_space<hbm>> -> memref<128x64xf32, #tpu.memory_space<hbm>>
    %dma_wait3A_562 = arith.constant 0 : i32
    %dma_wait3A_563 = arith.constant 0 : i32
    %dma_wait3A_564 = tpu.memref_slice %arg6[%dma_wait3A_550, %dma_wait3A_562, %dma_wait3A_563] : memref<8x128x64xf32, #tpu.memory_space<vmem>> -> memref<1x128x64xf32, #tpu.memory_space<vmem>>
    %dma_wait3A_565 = tpu.memref_squeeze %dma_wait3A_564 : memref<1x128x64xf32, #tpu.memory_space<vmem>> -> memref<128x64xf32, #tpu.memory_space<vmem>>
    tpu.wait_dma2 semaphore(%dma_wait3A_559 : memref<!tpu.dma_semaphore, #tpu.memory_space<semaphore_mem>>) src(%dma_wait3A_565 : memref<128x64xf32, #tpu.memory_space<vmem>>) dst(%dma_wait3A_561 : memref<128x64xf32, #tpu.memory_space<hbm>>)
    return
  }
}

</mosaic_0001>

<sc_bundles>
// kernel: kernel.3.cloned.1.call-start
scs
__scs_entry_jumppad:
0x0: {  	(pc) =	sbr.rel $0x88, $3  }
0x1: {  	(tag) =	ssettag $0x0;
	lr =	simm.s32 $0x1  }
0x2: {  	[smem:$0x3F9F] =	sst lr;
	_ =	strace $0xD0000000  }
0x3: {  	_ = 	snop  }
0x4: {  	_ = 	snop  }
0x5: {  	_ = 	snop  }
0x6: {  	_ = 	snop  }
0x7: {  	_ = 	snop  }
__scs_overlays_trampoline_lowered:
0x8: {  	[smem:$0x3FAE] =	sst s0  }
0x9: {  	[smem:$0x3FAF] =	sst s1  }
0xa: {  	[smem:$0x3FB0] =	sst s2  }
0xb: {  	[smem:$0x3FB1] =	sst s3  }
0xc: {  	[smem:$0x3FB2] =	sst s4  }
0xd: {  	[smem:$0x3FB3] =	sst s5  }
0xe: {  	[smem:$0x3FB4] =	sst s6  }
0xf: {  	[smem:$0x3FB5] =	sst s7  }
0x10: {  	[smem:$0x3FB6] =	sst s8  }
0x11: {  	[smem:$0x3FB7] =	sst s9;
	s0 =	simm.s32 @!p0 $0x0  }
0x12: {  	s1 =	sld [smem:$0x3F9D];
	s0 =	simm.s32 @p0 $0x1  }
0x13: {  	[smem:$0x3FB8] =	sst s0;
	s0 =	simm.s32 @!p1 $0x0  }
0x14: {  	s2 =	sld [smem:$0x3F9C];
	s0 =	simm.s32 @p1 $0x1  }
0x15: {  	[smem:$0x3FB9] =	sst s0;
	s0 =	simm.s32 @!p2 $0x0  }
0x16: {  	s3 =	sld [smem:$0x3FDB];
	s0 =	simm.s32 @p2 $0x1  }
0x17: {  	s4 =	simm.s32 $0x1BF5;
	[smem:$0x3FBB] =	sst s0  }
0x18: {  	s0 =	sld [smem:$0x3F9E];
	_ =	swait.ge [sflag:s4], $0x0  }
0x19: {  	s7 =	sld [smem:$0x3F9F]  }
0x1a: {  	s8 =	sadd.s32 $0xFFFFE003, lr  }
0x1b: {  	s9 =	sadd.s32 $0xFFFFFEF7, lr;
	s5 =	simm.s32 $0xFFFFFFFF;
	p2 =	slt.u32 s8, $0xFFFFF086  }
0x1c: {  	p1 =	slt.u32 s9, $0xF7A;
	s5 =	simm.s32 @!p2 $0x0  }
0x1d: {  	s5 =	simm.s32 @p1 $0x1;
	p0 =	seq.s32 s7, s2  }
0x1e: {  	s7 =	smul.u32 @!p0 $0xF7A, s2;
	p2 =	seq.s32 @!p0 s5, $0x0  }
0x1f: {  	s9 =	smul.u32 $0xF7A, s1;
	s8 =	simm.s32 @!p0 $0x1BF5;
	p2 =	por !p2, p0  }
0x20: {  	[sflag:s8] =	ssyncset.s32 @!p0 $0xFFFFF086;
	s6 =	sadd.s32 @!p0 s3, s7;
	s7 =	simm.s32 @!p0 $0x108  }
0x21: {  	s3 =	sadd.s32 s3, s9;
	s6 =	sadd.s32 @!p0 $0x88, s6;
	s7 =	simm.s32 @p2 $0x1082  }
0x22: {  	[simem:s7], [sflag:s8] =	dma.local @!p0 [hbm:s6], $0xF7A  }
0x23: {  	s9 =	sor.u32 $0xD0000000, s2;
	s6 =	simm.s32 $0x108;
	_ =	swait.ge @!p0 [sflag:s8], $0x0  }
0x24: {  	s3 =	sadd.s32 $0x88, s3;
	s6 =	simm.s32 @!p1 $0x1082;
	[sflag:s4] =	ssyncset.s32 $0xFFFFF086  }
0x25: {  	[simem:s6], [sflag:s4] =	dma.local [hbm:s3], $0xF7A  }
0x26: {  	[smem:$0x3F9F] =	sst s1;
	(tag) =	ssettag s2;
	_ =	strace s9  }
0x27: {  	s1 =	sld [smem:$0x3FAF]  }
0x28: {  	s2 =	sld [smem:$0x3FB0]  }
0x29: {  	s4 =	sld [smem:$0x3FB2]  }
0x2a: {  	p0 =	seq.s32 s5, $0x0;
	s5 =	sld [smem:$0x3FB3]  }
0x2b: {  	s6 =	sld [smem:$0x3FB4]  }
0x2c: {  	s7 =	sld [smem:$0x3FB5]  }
0x2d: {  	s3 =	simm.s32 $0x108;
	s8 =	sld [smem:$0x3FB6]  }
0x2e: {  	s3 =	simm.s32 @!p0 $0x1082;
	s9 =	sld [smem:$0x3FB7]  }
0x2f: {  	lr =	sadd.s32 s0, s3;
	s0 =	sld [smem:$0x3FAE]  }
0x30: {  	s3 =	sld [smem:$0x3FB1]  }
0x31: {  	[smem:$0x3FBA] =	sst s10  }
0x32: {  	s10 =	sld [smem:$0x3FB8];
	_ =	sdelay $0x3  }
0x33: {  	p0 =	seq.s32 s10, $0x1;
	s10 =	sld [smem:$0x3FBA];
	_ =	sdelay $0x3  }
0x34: {  	[smem:$0x3FBA] =	sst s10  }
0x35: {  	s10 =	sld [smem:$0x3FB9];
	_ =	sdelay $0x3  }
0x36: {  	p1 =	seq.s32 s10, $0x1;
	s10 =	sld [smem:$0x3FBA];
	_ =	sdelay $0x3  }
0x37: {  	[smem:$0x3FBA] =	sst s10  }
0x38: {  	s10 =	sld [smem:$0x3FBB]  }
0x39: {  	_ = 	snop;
	(pc) =	sbr.ind lr, $3  }
0x3a: {  	_ = 	snop  }
0x3b: {  	_ = 	snop  }
0x3c: {  	p2 =	seq.s32 s10, $0x1;
	s10 =	sld [smem:$0x3FBA]  }
0x3d: {  	_ =	shalt  }
0x3e: {  	_ =	shalt  }
0x3f: {  	_ =	shalt  }
0x40: {  	_ =	shalt  }
0x41: {  	_ =	shalt  }
0x42: {  	_ =	shalt  }
0x43: {  	_ =	shalt  }
0x44: {  	_ =	shalt  }
0x45: {  	_ =	shalt  }
0x46: {  	_ =	shalt  }
0x47: {  	_ =	shalt  }
0x48: {  	_ =	shalt  }
0x49: {  	_ =	shalt  }
0x4a: {  	_ =	shalt  }
0x4b: {  	_ =	shalt  }
0x4c: {  	_ =	shalt  }
0x4d: {  	_ =	shalt  }
0x4e: {  	_ =	shalt  }
0x4f: {  	_ =	shalt  }
0x50: {  	_ =	shalt  }
0x51: {  	_ =	shalt  }
0x52: {  	_ =	shalt  }
0x53: {  	_ =	shalt  }
0x54: {  	_ =	shalt  }
0x55: {  	_ =	shalt  }
0x56: {  	_ =	shalt  }
0x57: {  	_ =	shalt  }
0x58: {  	_ =	shalt  }
0x59: {  	_ =	shalt  }
0x5a: {  	_ =	shalt  }
0x5b: {  	_ =	shalt  }
0x5c: {  	_ =	shalt  }
0x5d: {  	_ =	shalt  }
0x5e: {  	_ =	shalt  }
0x5f: {  	_ =	shalt  }
0x60: {  	_ =	shalt  }
0x61: {  	_ =	shalt  }
0x62: {  	_ =	shalt  }
0x63: {  	_ =	shalt  }
0x64: {  	_ =	shalt  }
0x65: {  	_ =	shalt  }
0x66: {  	_ =	shalt  }
0x67: {  	_ =	shalt  }
0x68: {  	_ =	shalt  }
0x69: {  	_ =	shalt  }
0x6a: {  	_ =	shalt  }
0x6b: {  	_ =	shalt  }
0x6c: {  	_ =	shalt  }
0x6d: {  	_ =	shalt  }
0x6e: {  	_ =	shalt  }
0x6f: {  	_ =	shalt  }
0x70: {  	_ =	shalt  }
0x71: {  	_ =	shalt  }
0x72: {  	_ =	shalt  }
0x73: {  	_ =	shalt  }
0x74: {  	_ =	shalt  }
0x75: {  	_ =	shalt  }
0x76: {  	_ =	shalt  }
0x77: {  	_ =	shalt  }
0x78: {  	_ =	shalt  }
0x79: {  	_ =	shalt  }
0x7a: {  	_ =	shalt  }
0x7b: {  	_ =	shalt  }
0x7c: {  	_ =	shalt  }
0x7d: {  	_ =	shalt  }
0x7e: {  	_ =	shalt  }
0x7f: {  	_ =	shalt  }
0x80: {  	_ =	shalt  }
0x81: {  	_ =	shalt  }
0x82: {  	_ =	shalt  }
0x83: {  	_ =	shalt  }
0x84: {  	_ =	shalt  }
0x85: {  	_ =	shalt  }
0x86: {  	_ =	shalt  }
0x87: {  	_ =	shalt  }
.Lfunc_end0:
.L_simem_size_0:
called_computation.1_lowered:
.L_overlay_start_0:
0x88: {  	s2 =	sld [smem:$0x3FD9]  }
0x89: {  	s3 =	sld [smem:$0x3FFE];
	_ =	sdelay $0x1  }
0x8a: {  	s1 =	srdreg.scid  }
0x8b: {  	s0 =	sand.u32 $0x1, s1  }
0x8c: {  	s17 =	sshll.u32 s0, $0xA;
	s2 =	sadd.s32 s3, s2  }
0x8d: {  	s2 =	sadd.s32 s2, s17  }
0x8e: {  	[smem:$0x3FC6] =	sst s2  }
0x8f: {  	_ = 	snop  }
0x90: {  	s2 =	sld [smem:$0x3FD0];
	(tm) =	ssettm $0x1  }
0x91: {  	s18 =	sld [smem:$0x3FFB];
	_ =	sdelay $0x3  }
0x92: {  	_ =	strace s18  }
0x93: {  	s3 =	sld [smem:$0x3FFC];
	_ =	sdelay $0x3  }
0x94: {  	_ =	strace s3  }
0x95: {  	s3 =	sld [smem:$0x3FFD];
	_ =	sdelay $0x3  }
0x96: {  	_ =	strace s3  }
0x97: {  	_ =	strace $0x8FFFFFFF  }
0x98: {  	s19 =	sld [smem:$0x3FDB];
	_ =	sdelay $0x1  }
0x99: {  	s4 =	simm.s32 $_scs_section_size  }
0x9a: {  	s5 =	simm.s32 $_size__tile_overlayer_lowered;
	s6 =	simm.s32 $_tile_overlayer_lowered  }
0x9b: {  	s22 =	simm.s32 $0x1BFF;
	s21 =	sshll.u32 s6, $0x1;
	s3 =	sadd.s32 s4, s19  }
0x9c: {  	s7 =	simm.s32 $0x0;
	s20 =	sshll.u32 s5, $0x1;
	s5 =	sadd.s32 s21, s3  }
0x9d: {  	[timem:s7], [sflag:s22] =	dma.local [hbm:s5], s20  }
0x9e: {  	_ =	swait.ge [sflag:s22], s20  }
0x9f: {  	s4 =	ssub.s32 $0x0, s20;
	[sflag:s22] =	ssyncset.done $0x0  }
0xa0: {  	[sflag:s22] =	ssyncadd.s32 s4;
	_ =	sdelay $0x1  }
0xa1: {  	s23 =	simm.s32 $0x1B8B  }
0xa2: {  	_ =	swait.ge [sflag:s23], $0x1  }
0xa3: {  	[sflag:s23] =	ssyncset.done $0x0  }
0xa4: {  	s25 =	simm.s32 $0x1B8E;
	s24 =	sld [smem:$0x3FFE];
	[sflag:s23] =	ssyncadd.s32 $0xFFFFFFFF  }
0xa5: {  	s26 =	simm.s32 $execute0_lowered;
	[smem:$0x3FD2] =	sst s25  }
0xa6: {  	s5 =	sshll.u32 s26, $0x1;
	_ =	strace $0x80000046;
	[dreg:$0x1] =	wrdreg $0xFFFFFFFF  }
0xa7: {  	s28 =	simm.s32 $_size_execute0_lowered;
	s3 =	sadd.s32 s3, s5;
	[dreg:$0x0] =	wrdreg $0x0  }
0xa8: {  	s5 =	sshll.u32 s28, $0x1;
	[dreg:$0x2] =	wrdreg s3  }
0xa9: {  	[dreg:$0x3] =	wrdreg s5  }
0xaa: {  	[dreg:$0x4] =	wrdreg $0xC0  }
0xab: {  	_ =	task [dreg:s7], $0x5FFFF  }
0xac: {  	[dreg:$0x1] =	wrdreg $0xFFFFFFFF  }
0xad: {  	[dreg:$0x0] =	wrdreg $0x60  }
0xae: {  	[dreg:$0x2] =	wrdreg s24  }
0xaf: {  	[dreg:$0x3] =	wrdreg s2  }
0xb0: {  	[dreg:$0x4] =	wrdreg $0x9  }
0xb1: {  	_ =	task.clear_ibuf [dreg:s7], $0x5FFFF;
	_ =	strace $0x90000046  }
0xb2: {  	s29 =	simm.s32 $0x9;
	_ =	strace $0x80000048  }
0xb3: {  	_ =	swait.ge [sflag:s29], $0x1  }
0xb4: {  	[sflag:s29] =	ssyncadd.s32 $0xFFFFFFFF  }
0xb5: {  	_ =	strace $0x90000048  }
0xb6: {  	_ =	sfence  }
0xb7: {  	s30 =	sld [smem:$0x0];
	_ =	sdelay $0x2  }
0xb8: {  	s31 =	sshll.u32 s1, $0xD;
	s1 =	sshrl.u32 s1, $0x2  }
0xb9: {  	s3 =	sand.u32 $0x4000, s31;
	s1 =	sadd.s32 s1, s30  }
0xba: {  	s0 =	sor.u32 s3, s0;
	s1 =	sshll.u32 s1, $0x11  }
0xbb: {  	s0 =	sor.u32 s1, s0  }
0xbc: {  	s0 =	sadd.s32 $0x8F2B, s0  }
0xbd: {  	[sflag:s0] =	ssyncadd.remote.s32 $0x1  }
0xbe: {  	_ =	sfence.sel $0xFFFF  }
0xbf: {  	[dreg:$0x0] =	wrdreg $0xFFFFFFFF;
	(pc) =	sbr.abs _section_cstart, $3  }
0xc0: {  	[dreg:$0x1] =	wrdreg $0xFFFFFFFF  }
0xc1: {  	_ =	task.clear_ibuf [dreg:s7], $0x2FFFF;
	_ =	strace $0x9FFFFFFF  }
0xc2: {  	(tm) =	ssettm $0x7FFFFFFF  }
0xc3: {  	_ =	shalt  }
tec
execute0_lowered:
.L_overlay_start_1:
0x0: {  	(tag) =	ssettag $0x1  }
0x1: {  	s0 =	rddreg [dreg:$0x0];
	s1 =	srdreg.scid  }
0x2: {  	s8 =	stileid.u32;
	s9 =	rddreg [dreg:$0x1]  }
0x3: {  	s3 =	simm.s32 $0x0;
	s28 =	simm.s32 $0x4;
	s31 =	simm.s32 $0x5  }
0x4: {  	s10 =	simm.s32 $0xC;
	s11 =	simm.s32 $0x8;
	s30 =	simm.s32 $0x1  }
0x5: {  	s1 =	sand.u32 $0x1, s1;
	s2 =	sshll.u32 s8, $0x1;
	s8 =	smul.u32 $0x190, s8  }
0x6: {  	s2 =	sor.u32 s1, s2;
	s7 =	ssub.s32 $0x2, s1;
	s1 =	smul.u32 $0xC8, s1  }
0x7: {  	[smem:$0x7FF] =	sst s3;
	s4 =	sadd.s32 $0xF42E00, s0;
	s5 =	smul.u32 $0xC80, s2  }
0x8: {  	_ =	strace $0x80000047;
	s6 =	smul.u32 $0x32000, s2;
	s12 =	sshrl.u32 s7, $0x1  }
0x9: {  	s2 =	smul.u32 $0x190000, s2;
	s14 =	sadd.s32 s1, s8;
	s8 =	simm.s32 $0x7  }
0xa: {  	s1 =	simm.s32 $0x0;
	s0 =	sadd.s32 s5, s0;
	s6 =	sadd.s32 s9, s6  }
0xb: {  	s5 =	ssub.s32 s7, s12;
	s0 =	sadd.s32 $0xA00, s0;
	[dreg:$0x7] =	wrdreg s6  }
0xc: {  	s16 =	sshrl.u32 s2, $0x3;
	s13 =	sadd.s32 $0x400, s6;
	[dreg:$0x8] =	wrdreg s0  }
0xd: {  	s18 =	sshll.u32 s14, $0xA;
	s15 =	sadd.s32 $0x800, s6;
	[dreg:$0x9] =	wrdreg s13  }
0xe: {  	s7 =	simm.s32 $0xB;
	s17 =	sadd.s32 $0xC00, s6;
	[dreg:$0xa] =	wrdreg s15  }
0xf: {  	s12 =	simm.s32 $0xD;
	s20 =	sor.u32 $0x1800, s18;
	[dreg:$0xb] =	wrdreg s17  }
0x10: {  	s14 =	simm.s32 $0xF;
	s22 =	sor.u32 $0x1000, s18;
	[dreg:$0x3] =	wrdreg s20  }
0x11: {  	s19 =	sadd.s32 s9, s16;
	s24 =	sadd.s32 $0x2000, s18;
	[dreg:$0x4] =	wrdreg s22  }
0x12: {  	s26 =	sadd.s32 $0x2800, s18;
	s29 =	smax.u32 s5, $0x1;
	[dreg:$0x5] =	wrdreg s24  }
0x13: {  	s16 =	simm.s32 $0x6400;
	s6 =	simm.s32 $0x6;
	[dreg:$0x10] =	wrdreg s29  }
0x14: {  	s21 =	sadd.s32 $0x31000, s19;
	s23 =	sadd.s32 $0x31400, s19;
	[dreg:$0x6] =	wrdreg s26  }
0x15: {  	s25 =	sadd.s32 $0x31800, s19;
	s0 =	sadd.s32 $0x31C00, s19;
	[dreg:$0xc] =	wrdreg s21  }
0x16: {  	s17 =	simm.s32 $0x80;
	s19 =	simm.s32 $0x8400;
	[dreg:$0xd] =	wrdreg s23  }
0x17: {  	s26 =	simm.s32 $0x2;
	s20 =	simm.s32 $0xA;
	[dreg:$0xe] =	wrdreg s25  }
0x18: {  	s13 =	simm.s32 $0xE;
	s15 =	simm.s32 $0x10;
	[dreg:$0xf] =	wrdreg s0  }
0x19: {  	s21 =	simm.s32 $0xA400;
	s25 =	simm.s32 $0x1;
	s0 =	simm.s32 $0x3  }
.LBB2_1:
0x1a: {  	[dreg:$0x11] =	wrdreg s1  }
0x1b: {  	s2 =	rddreg [dreg:$0x8];
	s5 =	simm.s32 $0x11  }
0x1c: {  	[tilespmem:s3], [sflag:$0x11] =	stream.linear.gather [hbm4b:s2+s3], $0x6400, $0x38;
	[tilespmem:$0x16400] =	vst v63  }
0x1d: {  	_ =	swait.ge [sflag:s5], $0x6400  }
0x1e: {  	[sflag:s5] =	ssyncset.done $0x0  }
0x1f: {  	[sflag:s5] =	ssyncadd.s32 $0xFFFF9C00  }
0x20: {  	[tilespmem:s16], [sflag:$0x1] =	stream.indirect.gather [hbm4b:s4+s17], $0x40, s3, s17, $0xb8;
	[tilespmem:$0x16400] =	vst v63  }
0x21: {  	_ = 	snop  }
0x22: {  	[tilespmem:s19], [sflag:$0x2] =	stream.indirect.gather [hbm4b:s4+s17], $0x40, s17, s17, $0xb8;
	[tilespmem:$0x16400] =	vst v63  }
0x23: {  	s9 =	simm.s32 $0x100  }
0x24: {  	[tilespmem:s21], [sflag:$0x3] =	stream.indirect.gather [hbm4b:s4+s17], $0x40, s9, s17, $0xb8;
	[tilespmem:$0x16400] =	vst v63  }
0x25: {  	s22 =	simm.s32 $0x180;
	s1 =	simm.s32 $0xC400  }
0x26: {  	[tilespmem:s1], [sflag:$0x4] =	stream.indirect.gather [hbm4b:s4+s17], $0x40, s22, s17, $0xb8;
	[tilespmem:$0x16400] =	vst v63  }
0x27: {  	s23 =	simm.s32 $0x200;
	s22 =	simm.s32 $0xE400  }
0x28: {  	[tilespmem:s22], [sflag:$0x5] =	stream.indirect.gather [hbm4b:s4+s17], $0x40, s23, s17, $0xb8;
	[tilespmem:$0x16400] =	vst v63  }
0x29: {  	_ =	swait.ge [sflag:s25], $0x2000  }
0x2a: {  	[sflag:s25] =	ssyncset.done $0x0  }
0x2b: {  	s24 =	rddreg [dreg:$0x7];
	[sflag:s25] =	ssyncadd.s32 $0xFFFFE000  }
0x2c: {  	[hbm4b:s24+s3] =	stream.linear.scatter [tilespmem:s16], [sflag:$0x9], $0x2000, $0x38;
	[tilespmem:$0x16400] =	vst v63  }
0x2d: {  	s29 =	simm.s32 $0x280;
	s23 =	simm.s32 $0x10400  }
0x2e: {  	[tilespmem:s23], [sflag:$0x6] =	stream.indirect.gather [hbm4b:s4+s17], $0x40, s29, s17, $0xb8;
	[tilespmem:$0x16400] =	vst v63  }
0x2f: {  	_ =	swait.ge [sflag:s26], $0x2000  }
0x30: {  	[sflag:s26] =	ssyncset.done $0x0  }
0x31: {  	s5 =	rddreg [dreg:$0x9];
	[sflag:s26] =	ssyncadd.s32 $0xFFFFE000  }
0x32: {  	[hbm4b:s5+s3] =	stream.linear.scatter [tilespmem:s19], [sflag:$0xA], $0x2000, $0x38;
	[tilespmem:$0x16400] =	vst v63  }
0x33: {  	s9 =	simm.s32 $0x300;
	s29 =	simm.s32 $0x12400  }
0x34: {  	[tilespmem:s29], [sflag:$0x7] =	stream.indirect.gather [hbm4b:s4+s17], $0x40, s9, s17, $0xb8;
	[tilespmem:$0x16400] =	vst v63  }
0x35: {  	_ =	swait.ge [sflag:s0], $0x2000  }
0x36: {  	[sflag:s0] =	ssyncset.done $0x0  }
0x37: {  	s24 =	rddreg [dreg:$0xa];
	[sflag:s0] =	ssyncadd.s32 $0xFFFFE000  }
0x38: {  	[hbm4b:s24+s3] =	stream.linear.scatter [tilespmem:s21], [sflag:$0xB], $0x2000, $0x38;
	[tilespmem:$0x16400] =	vst v63  }
0x39: {  	s5 =	simm.s32 $0x380;
	s24 =	simm.s32 $0x14400  }
0x3a: {  	[tilespmem:s24], [sflag:$0x8] =	stream.indirect.gather [hbm4b:s4+s17], $0x40, s5, s17, $0xb8;
	[tilespmem:$0x16400] =	vst v63  }
0x3b: {  	_ =	swait.ge [sflag:s28], $0x2000  }
0x3c: {  	[sflag:s28] =	ssyncset.done $0x0  }
0x3d: {  	s5 =	simm.s32 $0x9;
	s9 =	rddreg [dreg:$0xb];
	[sflag:s28] =	ssyncadd.s32 $0xFFFFE000  }
0x3e: {  	[hbm4b:s9+s3] =	stream.linear.scatter [tilespmem:s1], [sflag:$0xC], $0x2000, $0x38;
	[tilespmem:$0x16400] =	vst v63  }
0x3f: {  	_ =	swait.ge [sflag:s5], $0x2000  }
0x40: {  	[sflag:s5] =	ssyncset.done $0x0  }
0x41: {  	s9 =	simm.s32 $0x400;
	[sflag:s5] =	ssyncadd.s32 $0xFFFFE000  }
0x42: {  	[tilespmem:s16], [sflag:$0x1] =	stream.indirect.gather [hbm4b:s4+s17], $0x40, s9, s17, $0xb8;
	[tilespmem:$0x16400] =	vst v63  }
0x43: {  	_ =	swait.ge [sflag:s31], $0x2000  }
0x44: {  	[sflag:s31] =	ssyncset.done $0x0  }
0x45: {  	s5 =	rddreg [dreg:$0x4];
	[sflag:s31] =	ssyncadd.s32 $0xFFFFE000  }
0x46: {  	s9 =	rddreg [dreg:$0x1]  }
0x47: {  	s2 =	sadd.s32 s9, s5  }
0x48: {  	[hbm4b:s2+s3] =	stream.linear.scatter [tilespmem:s22], [sflag:$0xD], $0x2000, $0x38;
	[tilespmem:$0x16400] =	vst v63  }
0x49: {  	_ =	swait.ge [sflag:s20], $0x2000  }
0x4a: {  	[sflag:s20] =	ssyncset.done $0x0  }
0x4b: {  	s5 =	simm.s32 $0x480;
	[sflag:s20] =	ssyncadd.s32 $0xFFFFE000  }
0x4c: {  	[tilespmem:s19], [sflag:$0x2] =	stream.indirect.gather [hbm4b:s4+s17], $0x40, s5, s17, $0xb8;
	[tilespmem:$0x16400] =	vst v63  }
0x4d: {  	_ =	swait.ge [sflag:s6], $0x2000  }
0x4e: {  	s2 =	sadd.s32 s9, s18;
	[sflag:s6] =	ssyncset.done $0x0  }
0x4f: {  	s5 =	sadd.s32 $0x1400, s2;
	[sflag:s6] =	ssyncadd.s32 $0xFFFFE000  }
0x50: {  	[hbm4b:s5+s3] =	stream.linear.scatter [tilespmem:s23], [sflag:$0xE], $0x2000, $0x38;
	[tilespmem:$0x16400] =	vst v63  }
0x51: {  	_ =	swait.ge [sflag:s7], $0x2000  }
0x52: {  	[sflag:s7] =	ssyncset.done $0x0  }
0x53: {  	s5 =	simm.s32 $0x500;
	[sflag:s7] =	ssyncadd.s32 $0xFFFFE000  }
0x54: {  	[tilespmem:s21], [sflag:$0x3] =	stream.indirect.gather [hbm4b:s4+s17], $0x40, s5, s17, $0xb8;
	[tilespmem:$0x16400] =	vst v63  }
0x55: {  	_ =	swait.ge [sflag:s8], $0x2000  }
0x56: {  	s5 =	rddreg [dreg:$0x3];
	[sflag:s8] =	ssyncset.done $0x0  }
0x57: {  	[sflag:s8] =	ssyncadd.s32 $0xFFFFE000;
	s5 =	sadd.s32 s9, s5  }
0x58: {  	[hbm4b:s5+s3] =	stream.linear.scatter [tilespmem:s29], [sflag:$0xF], $0x2000, $0x38;
	[tilespmem:$0x16400] =	vst v63  }
0x59: {  	_ =	swait.ge [sflag:s10], $0x2000  }
0x5a: {  	[sflag:s10] =	ssyncset.done $0x0  }
0x5b: {  	s5 =	simm.s32 $0x580;
	[sflag:s10] =	ssyncadd.s32 $0xFFFFE000  }
0x5c: {  	[tilespmem:s1], [sflag:$0x4] =	stream.indirect.gather [hbm4b:s4+s17], $0x40, s5, s17, $0xb8;
	[tilespmem:$0x16400] =	vst v63  }
0x5d: {  	_ =	swait.ge [sflag:s11], $0x2000  }
0x5e: {  	[sflag:s11] =	ssyncset.done $0x0  }
0x5f: {  	s2 =	sadd.s32 $0x1C00, s2;
	[sflag:s11] =	ssyncadd.s32 $0xFFFFE000  }
0x60: {  	[hbm4b:s2+s3] =	stream.linear.scatter [tilespmem:s24], [sflag:$0x10], $0x2000, $0x38;
	[tilespmem:$0x16400] =	vst v63  }
0x61: {  	_ =	swait.ge [sflag:s12], $0x2000  }
0x62: {  	[sflag:s12] =	ssyncset.done $0x0  }
0x63: {  	s1 =	simm.s32 $0x600;
	[sflag:s12] =	ssyncadd.s32 $0xFFFFE000  }
0x64: {  	[tilespmem:s22], [sflag:$0x5] =	stream.indirect.gather [hbm4b:s4+s17], $0x40, s1, s17, $0xb8;
	[tilespmem:$0x16400] =	vst v63  }
0x65: {  	_ =	swait.ge [sflag:s25], $0x2000  }
0x66: {  	s5 =	rddreg [dreg:$0x5];
	[sflag:s25] =	ssyncset.done $0x0  }
0x67: {  	[sflag:s25] =	ssyncadd.s32 $0xFFFFE000;
	s2 =	sadd.s32 s9, s5  }
0x68: {  	[hbm4b:s2+s3] =	stream.linear.scatter [tilespmem:s16], [sflag:$0x9], $0x2000, $0x38;
	[tilespmem:$0x16400] =	vst v63  }
0x69: {  	_ =	swait.ge [sflag:s13], $0x2000  }
0x6a: {  	[sflag:s13] =	ssyncset.done $0x0  }
0x6b: {  	s22 =	simm.s32 $0x680;
	[sflag:s13] =	ssyncadd.s32 $0xFFFFE000  }
0x6c: {  	[tilespmem:s23], [sflag:$0x6] =	stream.indirect.gather [hbm4b:s4+s17], $0x40, s22, s17, $0xb8;
	[tilespmem:$0x16400] =	vst v63  }
0x6d: {  	_ =	swait.ge [sflag:s26], $0x2000  }
0x6e: {  	[sflag:s26] =	ssyncset.done $0x0  }
0x6f: {  	s23 =	sadd.s32 $0x400, s2;
	[sflag:s26] =	ssyncadd.s32 $0xFFFFE000  }
0x70: {  	[hbm4b:s23+s3] =	stream.linear.scatter [tilespmem:s19], [sflag:$0xA], $0x2000, $0x38;
	[tilespmem:$0x16400] =	vst v63  }
0x71: {  	_ =	swait.ge [sflag:s14], $0x2000  }
0x72: {  	[sflag:s14] =	ssyncset.done $0x0  }
0x73: {  	s25 =	simm.s32 $0x700;
	[sflag:s14] =	ssyncadd.s32 $0xFFFFE000  }
0x74: {  	[tilespmem:s29], [sflag:$0x7] =	stream.indirect.gather [hbm4b:s4+s17], $0x40, s25, s17, $0xb8;
	[tilespmem:$0x16400] =	vst v63  }
0x75: {  	_ =	swait.ge [sflag:s0], $0x2000  }
0x76: {  	s26 =	rddreg [dreg:$0x6];
	[sflag:s0] =	ssyncset.done $0x0  }
0x77: {  	[sflag:s0] =	ssyncadd.s32 $0xFFFFE000;
	s5 =	sadd.s32 s9, s26  }
0x78: {  	[hbm4b:s5+s3] =	stream.linear.scatter [tilespmem:s21], [sflag:$0xB], $0x2000, $0x38;
	[tilespmem:$0x16400] =	vst v63  }
0x79: {  	_ =	swait.ge [sflag:s15], $0x2000  }
0x7a: {  	[sflag:s15] =	ssyncset.done $0x0  }
0x7b: {  	s29 =	simm.s32 $0x780;
	[sflag:s15] =	ssyncadd.s32 $0xFFFFE000  }
0x7c: {  	[tilespmem:s24], [sflag:$0x8] =	stream.indirect.gather [hbm4b:s4+s17], $0x40, s29, s17, $0xb8;
	[tilespmem:$0x16400] =	vst v63  }
0x7d: {  	s16 =	simm.s32 $0x1000;
	s23 =	simm.s32 $0x8400;
	_ =	swait.ge [sflag:s28], $0x2000  }
0x7e: {  	s25 =	simm.s32 $0xA400;
	s21 =	simm.s32 $0x6400;
	[sflag:s28] =	ssyncset.done $0x0  }
0x7f: {  	s5 =	sadd.s32 $0xC00, s2;
	s2 =	sadd.s32 $0x2000, s9;
	[sflag:s28] =	ssyncadd.s32 $0xFFFFE000  }
.LBB2_2:
0x80: {  	s1 =	simm.s32 $0xC400;
	s0 =	simm.s32 $0x9  }
0x81: {  	[hbm4b:s5+s3] =	stream.linear.scatter [tilespmem:s1], [sflag:$0xC], $0x2000, $0x38;
	[tilespmem:$0x16400] =	vst v63  }
0x82: {  	s22 =	smov.u32 s16;
	_ =	swait.ge [sflag:s0], $0x2000  }
0x83: {  	s5 =	sshra.s32 s22, $0x2;
	[sflag:s0] =	ssyncset.done $0x0  }
0x84: {  	s9 =	sadd.s32 $0x400, s5;
	[sflag:s0] =	ssyncadd.s32 $0xFFFFE000  }
0x85: {  	[tilespmem:s21], [sflag:$0x1] =	stream.indirect.gather [hbm4b:s4+s17], $0x40, s9, s17, $0xb8;
	[tilespmem:$0x16400] =	vst v63  }
0x86: {  	_ =	swait.ge [sflag:s31], $0x2000  }
0x87: {  	s24 =	rddreg [dreg:$0x4];
	[sflag:s31] =	ssyncset.done $0x0  }
0x88: {  	s22 =	simm.s32 $0xE400;
	[sflag:s31] =	ssyncadd.s32 $0xFFFFE000;
	s9 =	sadd.s32 s2, s24  }
0x89: {  	[hbm4b:s9+s3] =	stream.linear.scatter [tilespmem:s22], [sflag:$0xD], $0x2000, $0x38;
	[tilespmem:$0x16400] =	vst v63  }
0x8a: {  	_ =	swait.ge [sflag:s20], $0x2000  }
0x8b: {  	[sflag:s20] =	ssyncset.done $0x0  }
0x8c: {  	s26 =	sadd.s32 $0x480, s5;
	[sflag:s20] =	ssyncadd.s32 $0xFFFFE000  }
0x8d: {  	[tilespmem:s23], [sflag:$0x2] =	stream.indirect.gather [hbm4b:s4+s17], $0x40, s26, s17, $0xb8;
	[tilespmem:$0x16400] =	vst v63  }
0x8e: {  	_ =	swait.ge [sflag:s6], $0x2000  }
0x8f: {  	s9 =	sadd.s32 s2, s18;
	[sflag:s6] =	ssyncset.done $0x0  }
0x90: {  	s0 =	sadd.s32 $0x1400, s9;
	s26 =	simm.s32 $0x10400;
	[sflag:s6] =	ssyncadd.s32 $0xFFFFE000  }
0x91: {  	[hbm4b:s0+s3] =	stream.linear.scatter [tilespmem:s26], [sflag:$0xE], $0x2000, $0x38;
	[tilespmem:$0x16400] =	vst v63  }
0x92: {  	_ =	swait.ge [sflag:s7], $0x2000  }
0x93: {  	[sflag:s7] =	ssyncset.done $0x0  }
0x94: {  	s24 =	sadd.s32 $0x500, s5;
	[sflag:s7] =	ssyncadd.s32 $0xFFFFE000  }
0x95: {  	[tilespmem:s25], [sflag:$0x3] =	stream.indirect.gather [hbm4b:s4+s17], $0x40, s24, s17, $0xb8;
	[tilespmem:$0x16400] =	vst v63  }
0x96: {  	_ =	swait.ge [sflag:s8], $0x2000  }
0x97: {  	s19 =	smov.u32 s18;
	s0 =	rddreg [dreg:$0x3];
	[sflag:s8] =	ssyncset.done $0x0  }
0x98: {  	[sflag:s8] =	ssyncadd.s32 $0xFFFFE000;
	s18 =	sadd.s32 s2, s0;
	s0 =	simm.s32 $0x12400  }
0x99: {  	[hbm4b:s18+s3] =	stream.linear.scatter [tilespmem:s0], [sflag:$0xF], $0x2000, $0x38;
	[tilespmem:$0x16400] =	vst v63  }
0x9a: {  	_ =	swait.ge [sflag:s10], $0x2000  }
0x9b: {  	[sflag:s10] =	ssyncset.done $0x0  }
0x9c: {  	s24 =	sadd.s32 $0x580, s5;
	[sflag:s10] =	ssyncadd.s32 $0xFFFFE000  }
0x9d: {  	[tilespmem:s1], [sflag:$0x4] =	stream.indirect.gather [hbm4b:s4+s17], $0x40, s24, s17, $0xb8;
	[tilespmem:$0x16400] =	vst v63  }
0x9e: {  	_ =	swait.ge [sflag:s11], $0x2000  }
0x9f: {  	[sflag:s11] =	ssyncset.done $0x0  }
0xa0: {  	s28 =	simm.s32 $0x14400;
	s9 =	sadd.s32 $0x1C00, s9;
	[sflag:s11] =	ssyncadd.s32 $0xFFFFE000  }
0xa1: {  	[hbm4b:s9+s3] =	stream.linear.scatter [tilespmem:s28], [sflag:$0x10], $0x2000, $0x38;
	[tilespmem:$0x16400] =	vst v63  }
0xa2: {  	_ =	swait.ge [sflag:s12], $0x2000  }
0xa3: {  	[sflag:s12] =	ssyncset.done $0x0  }
0xa4: {  	s18 =	sadd.s32 $0x600, s5;
	[sflag:s12] =	ssyncadd.s32 $0xFFFFE000  }
0xa5: {  	[tilespmem:s22], [sflag:$0x5] =	stream.indirect.gather [hbm4b:s4+s17], $0x40, s18, s17, $0xb8;
	[tilespmem:$0x16400] =	vst v63  }
0xa6: {  	_ =	swait.ge [sflag:s30], $0x2000  }
0xa7: {  	s22 =	rddreg [dreg:$0x5];
	[sflag:s30] =	ssyncset.done $0x0  }
0xa8: {  	[sflag:s30] =	ssyncadd.s32 $0xFFFFE000;
	s9 =	sadd.s32 s2, s22  }
0xa9: {  	[hbm4b:s9+s3] =	stream.linear.scatter [tilespmem:s21], [sflag:$0x9], $0x2000, $0x38;
	[tilespmem:$0x16400] =	vst v63  }
0xaa: {  	_ =	swait.ge [sflag:s13], $0x2000  }
0xab: {  	[sflag:s13] =	ssyncset.done $0x0  }
0xac: {  	s24 =	sadd.s32 $0x680, s5;
	[sflag:s13] =	ssyncadd.s32 $0xFFFFE000  }
0xad: {  	[tilespmem:s26], [sflag:$0x6] =	stream.indirect.gather [hbm4b:s4+s17], $0x40, s24, s17, $0xb8;
	[tilespmem:$0x16400] =	vst v63  }
0xae: {  	s26 =	simm.s32 $0x2  }
0xaf: {  	_ =	swait.ge [sflag:s26], $0x2000  }
0xb0: {  	[sflag:s26] =	ssyncset.done $0x0  }
0xb1: {  	s24 =	sadd.s32 $0x400, s9;
	[sflag:s26] =	ssyncadd.s32 $0xFFFFE000  }
0xb2: {  	[hbm4b:s24+s3] =	stream.linear.scatter [tilespmem:s23], [sflag:$0xA], $0x2000, $0x38;
	[tilespmem:$0x16400] =	vst v63  }
0xb3: {  	_ =	swait.ge [sflag:s14], $0x2000  }
0xb4: {  	[sflag:s14] =	ssyncset.done $0x0  }
0xb5: {  	s18 =	sadd.s32 $0x700, s5;
	[sflag:s14] =	ssyncadd.s32 $0xFFFFE000  }
0xb6: {  	[tilespmem:s0], [sflag:$0x7] =	stream.indirect.gather [hbm4b:s4+s17], $0x40, s18, s17, $0xb8;
	[tilespmem:$0x16400] =	vst v63  }
0xb7: {  	s0 =	simm.s32 $0x3  }
0xb8: {  	_ =	swait.ge [sflag:s0], $0x2000  }
0xb9: {  	s18 =	rddreg [dreg:$0x6];
	[sflag:s0] =	ssyncset.done $0x0  }
0xba: {  	[sflag:s0] =	ssyncadd.s32 $0xFFFFE000;
	s18 =	sadd.s32 s2, s18  }
0xbb: {  	[hbm4b:s18+s3] =	stream.linear.scatter [tilespmem:s25], [sflag:$0xB], $0x2000, $0x38;
	[tilespmem:$0x16400] =	vst v63  }
0xbc: {  	_ =	swait.ge [sflag:s15], $0x2000  }
0xbd: {  	[sflag:s15] =	ssyncset.done $0x0  }
0xbe: {  	p0 =	sne.s32 s16, $0x17000;
	s5 =	sadd.s32 $0x780, s5;
	[sflag:s15] =	ssyncadd.s32 $0xFFFFE000  }
0xbf: {  	[tilespmem:s28], [sflag:$0x8] =	stream.indirect.gather [hbm4b:s4+s17], $0x40, s5, s17, $0xb8;
	[tilespmem:$0x16400] =	vst v63  }
.Ltmp0:
0xc0: {  	s16 =	sadd.s32 $0x1000, s16;
	(pc) =	sbr.rel @p0 .LBB2_2-.Ltmp0, $4  }
0xc1: {  	s29 =	simm.s32 $0xC400;
	s1 =	simm.s32 $0xE400;
	s28 =	simm.s32 $0x4  }
0xc2: {  	s22 =	simm.s32 $0x10400;
	s24 =	simm.s32 $0x12400;
	_ =	swait.ge [sflag:s28], $0x2000  }
0xc3: {  	s2 =	sadd.s32 $0x2000, s2;
	s18 =	smov.u32 s19;
	[sflag:s28] =	ssyncset.done $0x0  }
0xc4: {  	s19 =	simm.s32 $0x14400;
	s5 =	sadd.s32 $0xC00, s9;
	[sflag:s28] =	ssyncadd.s32 $0xFFFFE000  }
0xc5: {  	[hbm4b:s5+s3] =	stream.linear.scatter [tilespmem:s29], [sflag:$0xC], $0x2000, $0x38;
	[tilespmem:$0x16400] =	vst v63  }
0xc6: {  	_ =	swait.ge [sflag:s31], $0x2000  }
0xc7: {  	[sflag:s31] =	ssyncset.done $0x0  }
0xc8: {  	s2 =	rddreg [dreg:$0xc];
	[sflag:s31] =	ssyncadd.s32 $0xFFFFE000  }
0xc9: {  	[hbm4b:s2+s3] =	stream.linear.scatter [tilespmem:s1], [sflag:$0xD], $0x2000, $0x38;
	[tilespmem:$0x16400] =	vst v63  }
0xca: {  	_ =	swait.ge [sflag:s6], $0x2000  }
0xcb: {  	[sflag:s6] =	ssyncset.done $0x0  }
0xcc: {  	s21 =	rddreg [dreg:$0xd];
	[sflag:s6] =	ssyncadd.s32 $0xFFFFE000  }
0xcd: {  	[hbm4b:s21+s3] =	stream.linear.scatter [tilespmem:s22], [sflag:$0xE], $0x2000, $0x38;
	[tilespmem:$0x16400] =	vst v63  }
0xce: {  	_ =	swait.ge [sflag:s8], $0x2000  }
0xcf: {  	[sflag:s8] =	ssyncset.done $0x0  }
0xd0: {  	s22 =	rddreg [dreg:$0xe];
	[sflag:s8] =	ssyncadd.s32 $0xFFFFE000  }
0xd1: {  	[hbm4b:s22+s3] =	stream.linear.scatter [tilespmem:s24], [sflag:$0xF], $0x2000, $0x38;
	[tilespmem:$0x16400] =	vst v63  }
0xd2: {  	_ =	swait.ge [sflag:s11], $0x2000  }
0xd3: {  	[sflag:s11] =	ssyncset.done $0x0  }
0xd4: {  	s24 =	simm.s32 $0x9;
	s23 =	rddreg [dreg:$0xf];
	[sflag:s11] =	ssyncadd.s32 $0xFFFFE000  }
0xd5: {  	[hbm4b:s23+s3] =	stream.linear.scatter [tilespmem:s19], [sflag:$0x10], $0x2000, $0x38;
	[tilespmem:$0x16400] =	vst v63  }
0xd6: {  	_ =	swait.ge [sflag:s24], $0x2000  }
0xd7: {  	[sflag:s24] =	ssyncset.done $0x0  }
0xd8: {  	[sflag:s24] =	ssyncadd.s32 $0xFFFFE000  }
0xd9: {  	_ =	swait.ge [sflag:s20], $0x2000  }
0xda: {  	[sflag:s20] =	ssyncset.done $0x0  }
0xdb: {  	[sflag:s20] =	ssyncadd.s32 $0xFFFFE000  }
0xdc: {  	_ =	swait.ge [sflag:s7], $0x2000  }
0xdd: {  	[sflag:s7] =	ssyncset.done $0x0  }
0xde: {  	[sflag:s7] =	ssyncadd.s32 $0xFFFFE000  }
0xdf: {  	_ =	swait.ge [sflag:s10], $0x2000  }
0xe0: {  	[sflag:s10] =	ssyncset.done $0x0  }
0xe1: {  	[sflag:s10] =	ssyncadd.s32 $0xFFFFE000  }
0xe2: {  	_ =	swait.ge [sflag:s12], $0x2000  }
0xe3: {  	[sflag:s12] =	ssyncset.done $0x0  }
0xe4: {  	[sflag:s12] =	ssyncadd.s32 $0xFFFFE000  }
0xe5: {  	_ =	swait.ge [sflag:s13], $0x2000  }
0xe6: {  	[sflag:s13] =	ssyncset.done $0x0  }
0xe7: {  	[sflag:s13] =	ssyncadd.s32 $0xFFFFE000  }
0xe8: {  	_ =	swait.ge [sflag:s14], $0x2000  }
0xe9: {  	[sflag:s14] =	ssyncset.done $0x0  }
0xea: {  	[sflag:s14] =	ssyncadd.s32 $0xFFFFE000  }
0xeb: {  	_ =	swait.ge [sflag:s15], $0x2000  }
0xec: {  	s25 =	rddreg [dreg:$0x11]  }
0xed: {  	s29 =	rddreg [dreg:$0x10];
	s1 =	sadd.s32 $0x1, s25  }
0xee: {  	p0 =	sne.s32 s1, s29  }
.Ltmp1:
0xef: {  	_ = 	snop;
	(pc) =	sbr.rel @p0 .LBB2_1-.Ltmp1, $3  }
0xf0: {  	_ =	sdelay $0x1  }
0xf1: {  	s16 =	simm.s32 $0x6400;
	s21 =	simm.s32 $0xA400;
	[sflag:s15] =	ssyncset.done $0x0  }
0xf2: {  	s19 =	simm.s32 $0x8400;
	[sflag:s15] =	ssyncadd.s32 $0xFFFFE000;
	s25 =	simm.s32 $0x1  }
0xf3: {  	_ =	sfence.sel $0x180000  }
0xf4: {  	[bflag:$0x0] =	sbarrier.arrive $0xFFFF  }
0xf5: {  	_ =	strace $0x90000047  }
0xf6: {  	s0 =	stileid.u32;
	[bflag:$0x2] =	sbarrier.arrive $0xFFFF  }
0xf7: {  	p0 =	sne.s32 s0, $0x0;
	s0 =	rddreg [dreg:$0x2]  }
0xf8: {  	s0 =	sadd.s32 @!p0 $0x100000, s0  }
0xf9: {  	[sflag:s0] =	ssyncadd.tile.s32 @!p0 $0x1;
	_ =	shalt  }
.Lfunc_end2:
_tile_overlayer_lowered:
.L_overlay_start_2:
0xfa: {  	(tag) =	ssettag $0x2  }
0xfb: {  	s0 =	rddreg [dreg:$0x0];
	s2 =	stileid.u32  }
0xfc: {  	s1 =	rddreg [dreg:$0x1];
	p0 =	sne.s32 s2, $0x0  }
0xfd: {  	s3 =	rddreg [dreg:$0x2];
	[bflag:$0x3] =	sbarrier.arrive $0xFFFF;
	s2 =	simm.s32 @!p0 $0x1C11  }
0xfe: {  	[timem:s3], [sflag:s2] =	dma.local @!p0 [hbm:s0], s1  }
0xff: {  	s0 =	simm.s32 @!p0 $0x11  }
0x100: {  	_ =	swait.ge @!p0 [sflag:s0], s1  }
0x101: {  	s1 =	ssub.s32 @!p0 $0x0, s1;
	[sflag:s0] =	ssyncset.done @!p0 $0x0  }
0x102: {  	[sflag:s0] =	ssyncadd.s32 @!p0 s1  }
0x103: {  	[bflag:$0x3] =	sbarrier.arrive $0xFFFF  }
0x104: {  	_ =	shalt  }

// kernel: sparse-core-data-format-call.cloned.1.call-start
scs
called_computation_lowered:
.L_overlay_start_0:
0x0: {  	s2 =	sld [smem:$0x3FD9]  }
0x1: {  	s3 =	sld [smem:$0x3FFE];
	_ =	sdelay $0x1  }
0x2: {  	s1 =	srdreg.scid  }
0x3: {  	s0 =	sand.u32 $0x1, s1  }
0x4: {  	s18 =	sshll.u32 s0, $0xA;
	s2 =	sadd.s32 s3, s2  }
0x5: {  	s2 =	sadd.s32 s2, s18  }
0x6: {  	[smem:$0x3FC6] =	sst s2  }
0x7: {  	_ = 	snop  }
0x8: {  	s2 =	sld [smem:$0x3FD0];
	(tm) =	ssettm $0x1  }
0x9: {  	s19 =	sld [smem:$0x3FFB];
	_ =	sdelay $0x3  }
0xa: {  	_ =	strace s19  }
0xb: {  	s3 =	sld [smem:$0x3FFC];
	_ =	sdelay $0x3  }
0xc: {  	_ =	strace s3  }
0xd: {  	s3 =	sld [smem:$0x3FFD];
	_ =	sdelay $0x3  }
0xe: {  	_ =	strace s3  }
0xf: {  	_ =	strace $0x8FFFFFFF  }
0x10: {  	s20 =	sld [smem:$0x3FDB];
	_ =	sdelay $0x1  }
0x11: {  	s4 =	simm.s32 $_scs_section_size  }
0x12: {  	s5 =	simm.s32 $_size__tile_overlayer_lowered;
	s6 =	simm.s32 $_tile_overlayer_lowered  }
0x13: {  	s23 =	simm.s32 $0x1BFF;
	s22 =	sshll.u32 s6, $0x1;
	s3 =	sadd.s32 s4, s20  }
0x14: {  	s7 =	simm.s32 $0x0;
	s21 =	sshll.u32 s5, $0x1;
	s5 =	sadd.s32 s22, s3  }
0x15: {  	[timem:s7], [sflag:s23] =	dma.local [hbm:s5], s21  }
0x16: {  	_ =	swait.ge [sflag:s23], s21  }
0x17: {  	s4 =	ssub.s32 $0x0, s21;
	[sflag:s23] =	ssyncset.done $0x0  }
0x18: {  	[sflag:s23] =	ssyncadd.s32 s4;
	_ =	sdelay $0x1  }
0x19: {  	s24 =	simm.s32 $0x1B8B  }
0x1a: {  	_ =	swait.ge [sflag:s24], $0x1  }
0x1b: {  	[sflag:s24] =	ssyncset.done $0x0  }
0x1c: {  	s26 =	simm.s32 $0x1B8E;
	s25 =	sld [smem:$0x3FFE];
	[sflag:s24] =	ssyncadd.s32 $0xFFFFFFFF  }
0x1d: {  	s27 =	simm.s32 $execute0_lowered;
	[smem:$0x3FD2] =	sst s26  }
0x1e: {  	s5 =	sshll.u32 s27, $0x1;
	_ =	strace $0x80000049;
	[dreg:$0x1] =	wrdreg $0xFFFFFFFF  }
0x1f: {  	s28 =	simm.s32 $_size_execute0_lowered;
	s3 =	sadd.s32 s3, s5;
	[dreg:$0x0] =	wrdreg $0x0  }
0x20: {  	s5 =	sshll.u32 s28, $0x1;
	[dreg:$0x2] =	wrdreg s3  }
0x21: {  	[dreg:$0x3] =	wrdreg s5  }
0x22: {  	[dreg:$0x4] =	wrdreg $0xC0  }
0x23: {  	_ =	task [dreg:s7], $0x5FFFF  }
0x24: {  	[dreg:$0x1] =	wrdreg $0xFFFFFFFF  }
0x25: {  	[dreg:$0x0] =	wrdreg $0x60  }
0x26: {  	[dreg:$0x2] =	wrdreg s25  }
0x27: {  	[dreg:$0x3] =	wrdreg s2  }
0x28: {  	[dreg:$0x4] =	wrdreg $0x9  }
0x29: {  	_ =	task.clear_ibuf [dreg:s7], $0x5FFFF;
	_ =	strace $0x90000049  }
0x2a: {  	s29 =	simm.s32 $0x9;
	_ =	strace $0x8000004B  }
0x2b: {  	_ =	swait.ge [sflag:s29], $0x1  }
0x2c: {  	[sflag:s29] =	ssyncadd.s32 $0xFFFFFFFF  }
0x2d: {  	_ =	strace $0x9000004B  }
0x2e: {  	_ =	sfence  }
0x2f: {  	s30 =	sld [smem:$0x0];
	_ =	sdelay $0x2  }
0x30: {  	s31 =	sshll.u32 s1, $0xD;
	s1 =	sshrl.u32 s1, $0x2  }
0x31: {  	s3 =	sand.u32 $0x4000, s31;
	s1 =	sadd.s32 s1, s30  }
0x32: {  	s0 =	sor.u32 s3, s0;
	s1 =	sshll.u32 s1, $0x11  }
0x33: {  	s0 =	sor.u32 s1, s0  }
0x34: {  	s0 =	sadd.s32 $0x8F2B, s0  }
0x35: {  	[sflag:s0] =	ssyncadd.remote.s32 $0x1  }
0x36: {  	_ =	sfence.sel $0xFFFF  }
0x37: {  	[dreg:$0x0] =	wrdreg $0xFFFFFFFF;
	(pc) =	sbr.abs _section_cstart, $3  }
0x38: {  	[dreg:$0x1] =	wrdreg $0xFFFFFFFF  }
0x39: {  	_ =	task.clear_ibuf [dreg:s7], $0x2FFFF;
	_ =	strace $0x9FFFFFFF  }
0x3a: {  	(tm) =	ssettm $0x7FFFFFFF  }
0x3b: {  	_ =	shalt  }
tec
execute0_lowered:
.L_overlay_start_1:
0x0: {  	(tag) =	ssettag $0x1  }
0x1: {  	s0 =	srdreg.scid  }
0x2: {  	s1 =	sshll.u32 s0, $0x4  }
0x3: {  	s0 =	stileid.u32;
	s1 =	sand.u32 $0x10, s1  }
0x4: {  	s1 =	sor.u32 s0, s1  }
0x5: {  	s6 =	rddreg [dreg:$0x0];
	s4 =	simm.s32 $0x1;
	s2 =	sshll.u32 s1, $0x7  }
0x6: {  	s7 =	simm.s32 $0x2;
	s12 =	simm.s32 $0x0;
	s1 =	ssub.s32 $0x1000, s2  }
0x7: {  	s8 =	simm.s32 $0x8000;
	s13 =	simm.s32 $0x0;
	s3 =	sand.u32 $0xF80, s1  }
0x8: {  	s9 =	simm.s32 $0x0;
	s5 =	sshrl.u32 s1, $0xC;
	p0 =	sne.s32 s3, $0x0  }
.Ltmp0:
0x9: {  	s1 =	rddreg [dreg:$0x2];
	s4 =	simm.s32 @!p0 $0x0;
	(pc) =	sbr.rel .LBB1_1-.Ltmp0, $4  }
0xa: {  	s11 =	simm.s32 $0x0;
	s3 =	rddreg [dreg:$0x1];
	s5 =	sadd.s32 s4, s5  }
0xb: {  	_ =	strace $0x8000004A;
	s4 =	simm.s32 $0x1;
	s5 =	smul.u32 $0xC8, s5  }
0xc: {  	s6 =	sadd.s32 $0xA00, s6;
	s10 =	smov.u32 s2;
	[sflag:s4] =	ssyncpa.u1 $0x0  }
0xd: {  	p0 =	por $0x0, $0x0;
	[sflag:s7] =	ssyncpa.u1 $0x0;
	s7 =	sor.u32 $0x1, s5  }
.LBB1_4:
0xe: {  	s16 =	sshll.u32 s13, $0x3;
	s17 =	sand.u32 $0x78, s13  }
0xf: {  	s30 =	sand.u32 $0x7E00, s13;
	s12 =	sshll.u32 s12, $0xF;
	s16 =	sand.u32 $0xC00, s16  }
0x10: {  	[tilespmem:s15+$0x810 ss:$0x81] =	vst.msk $0xffff, v2;
	s31 =	sand.u32 $0x7, s13;
	s16 =	sor.u32 s17, s16;
	s17 =	sadd.s32 s3, s30  }
0x11: {  	[tilespmem:s15+$0x1020 ss:$0x81] =	vst.msk $0xffff, v0;
	s13 =	sshll.u32 s31, $0x12;
	s12 =	sadd.s32 s12, s17;
	s16 =	sshrl.u32 s16, $0x3  }
0x12: {  	[tilespmem:s15+$0x0 ss:$0x81] =	vst.msk $0xffff, v1;
	s13 =	sor.u32 $0x400, s13;
	s12 =	sadd.s32 s16, s12  }
0x13: {  	[hbm4b:s12+s13] =	stream.strided.scatter [tilespmem:s14], [sflag:$0x2], $0x2000, s8, s13, $0x20;
	[tilespmem:$0x8080] =	vst v63  }
.LBB1_5:
0x14: {  	s14 =	sadd.s32 $0x1, s9  }
0x15: {  	s12 =	sadd.s32 $0x1000, s10;
	s16 =	smov.u32 s10;
	p2 =	sgt.s32 s14, $0xC7  }
0x16: {  	s16 =	smov.u32 @p2 s12  }
0x17: {  	s14 =	simm.s32 @p2 $0x0;
	p2 =	sgt.s32 s16, $0xFFF  }
0x18: {  	s16 =	smov.u32 @p2 s2;
	p2 =	sne.s32 s11, s7  }
.Ltmp1:
0x19: {  	p1 =	slt.u32 s11, $0x2;
	(pc) =	sbr.rel @!p2 .LBB1_6-.Ltmp1, $4  }
0x1a: {  	s15 =	simm.s32 @!p1 $0x2  }
0x1b: {  	s13 =	smov.u32 s10;
	p0 =	por !p0, !p0;
	_ =	swait.ge @!p1 [sflag:s15], $0x2000  }
0x1c: {  	s12 =	smov.u32 s9;
	[sflag:s15] =	ssyncset.done @!p1 $0x0;
	s9 =	smov.u32 s14  }
0x1d: {  	s11 =	sadd.s32 $0x1, s11;
	[sflag:s15] =	ssyncadd.s32 @!p1 $0xFFFFE000;
	s10 =	smov.u32 s16  }
.LBB1_1:
0x1e: {  	p1 =	sge.u32 s11, s5  }
0x1f: {  	s14 =	sand.u32 @!p1 $0x1FFFFFF, s9  }
0x20: {  	s15 =	smulhi.u32 @!p1 $0x147AE15, s14;
	_ =	sdelay $0x1  }
0x21: {  	s15 =	smul.u32 @!p1 $0xC8, s15  }
0x22: {  	s16 =	sxor.u32 @!p1 $0xFFFFFFFF, s11;
	s17 =	smul.u32 @!p1 $0xC80, s10  }
0x23: {  	s31 =	sadd.s32 $0xFFFFFFFF, s11;
	s16 =	sshll.u32 @!p1 s16, $0xD;
	s14 =	ssub.s32 @!p1 s14, s15  }
0x24: {  	s15 =	sand.u32 @!p1 $0x2000, s16;
	s16 =	sadd.s32 @!p1 s6, s17;
	s14 =	sshll.u32 @!p1 s14, $0x4  }
0x25: {  	s17 =	simm.s32 @!p1 $0x6400;
	s14 =	sadd.s32 @!p1 s14, s16;
	s16 =	simm.s32 @!p1 $0x40  }
0x26: {  	[tilespmem:s15], [sflag:$0x1] =	stream.strided.gather @!p1 [hbm4b:s14+s16], $0x2000, s17, s16, $0x38;
	[tilespmem:$0x8080] =	vst v63  }
0x27: {  	p1 =	sge.u32 s31, s5  }
.Ltmp2:
0x28: {  	_ = 	snop;
	(pc) =	sbr.rel @p1 .LBB1_5-.Ltmp2, $1  }
0x29: {  	_ =	sdelay $0x3  }
0x2a: {  	s14 =	simm.s32 $0x1  }
0x2b: {  	_ =	swait.ge [sflag:s4], $0x2000;
	s14 =	simm.s32 @!p0 $0x0  }
0x2c: {  	[sflag:s4] =	ssyncset.done $0x0;
	s15 =	sshll.u32 s14, $0xD  }
0x2d: {  	[sflag:s4] =	ssyncadd.s32 $0xFFFFE000;
	s18 =	sor.u32 $0x20, s15  }
0x2e: {  	s14 =	smul.u32 $0x8100, s14;
	v3 =	vld [tilespmem:s18+$0x10]  }
0x2f: {  	s30 =	sand.u32 $0x1, s11;
	v2 =	vld [tilespmem:s18+$0xFFFFFFF0]  }
0x30: {  	s15 =	smul.u32 $0x8100, s30;
	s14 =	sshrl.u32 s14, $0x2;
	v0 =	vld [tilespmem:s18+$0x0]  }
0x31: {  	v1 =	vld [tilespmem:s18+$0xFFFFFFE0];
	s16 =	sor.u32 $0x4000, s14  }
0x32: {  	s31 =	sshrl.u32 s15, $0x2;
	s15 =	sadd.s32 $0x0, s16  }
0x33: {  	s17 =	simm.s32 $0x4;
	s18 =	sadd.s32 $0x40, s18;
	s14 =	sor.u32 $0x4000, s31;
	[tilespmem:s15+$0x1830 ss:$0x81] =	vst.msk $0xffff, v3  }
.LBB1_3:
0x34: {  	v3 =	vld [tilespmem:s18+$0x10];
	p1 =	sne.s32 s17, $0x1FC;
	[tilespmem:s15+$0x810 ss:$0x81] =	vst.msk $0xffff, v2;
	s19 =	smov.u32 s17;
	s17 =	sadd.s32 $0x4, s17  }
.Ltmp3:
0x35: {  	v2 =	vld [tilespmem:s18+$0xFFFFFFF0];
	[tilespmem:s15+$0x1020 ss:$0x81] =	vst.msk $0xffff, v0;
	(pc) =	sbr.rel @p1 .LBB1_3-.Ltmp3, $4  }
0x36: {  	v0 =	vld [tilespmem:s18+$0x0];
	[tilespmem:s15+$0x0 ss:$0x81] =	vst.msk $0xffff, v1  }
0x37: {  	s15 =	sshra.s32 s19, $0x2;
	v1 =	vld [tilespmem:s18+$0xFFFFFFE0]  }
0x38: {  	s15 =	sadd.s32 s15, s16  }
0x39: {  	s18 =	sadd.s32 $0x40, s18;
	[tilespmem:s15+$0x1830 ss:$0x81] =	vst.msk $0xffff, v3  }
.Ltmp4:
0x3a: {  	_ = 	snop;
	(pc) =	sbr.rel .LBB1_4-.Ltmp4, $1  }
0x3b: {  	_ =	sdelay $0x3  }
.LBB1_6:
0x3c: {  	_ =	sfence.sel $0x180000  }
0x3d: {  	s2 =	simm.s32 $0x1;
	[bflag:$0x0] =	sbarrier.arrive $0xFFFF  }
0x3e: {  	s31 =	simm.s32 $0x2;
	[sflag:s2] =	ssyncpa.u1 $0x1  }
0x3f: {  	[sflag:s31] =	ssyncpa.u1 $0x1  }
0x40: {  	p0 =	sne.s32 s0, $0x0;
	_ =	strace $0x9000004A  }
0x41: {  	s0 =	sadd.s32 @!p0 $0x100000, s1;
	[bflag:$0x2] =	sbarrier.arrive $0xFFFF  }
0x42: {  	[sflag:s0] =	ssyncadd.tile.s32 @!p0 $0x1;
	_ =	shalt  }
.Lfunc_end1:
_tile_overlayer_lowered:
.L_overlay_start_2:
0x43: {  	(tag) =	ssettag $0x2  }
0x44: {  	s0 =	rddreg [dreg:$0x0];
	s2 =	stileid.u32  }
0x45: {  	s1 =	rddreg [dreg:$0x1];
	p0 =	sne.s32 s2, $0x0  }
0x46: {  	s3 =	rddreg [dreg:$0x2];
	[bflag:$0x3] =	sbarrier.arrive $0xFFFF;
	s2 =	simm.s32 @!p0 $0x1C01  }
0x47: {  	[timem:s3], [sflag:s2] =	dma.local @!p0 [hbm:s0], s1  }
0x48: {  	s0 =	simm.s32 @!p0 $0x1  }
0x49: {  	_ =	swait.ge @!p0 [sflag:s0], s1  }
0x4a: {  	s1 =	ssub.s32 @!p0 $0x0, s1;
	[sflag:s0] =	ssyncset.done @!p0 $0x0  }
0x4b: {  	[sflag:s0] =	ssyncadd.s32 @!p0 s1  }
0x4c: {  	[bflag:$0x3] =	sbarrier.arrive $0xFFFF  }
0x4d: {  	_ =	shalt  }

</sc_bundles>
